<compile_context>
chip_gen: v7x
topology: tpu7x:2x2x1
jax: 0.10.2.dev20260603
libtpu: 0.0.44.dev20260713+nightly
codegen_flags: <defaults>
</compile_context>

<pallas_src>
import functools

import jax
import jax.numpy as jnp
from jax import lax
from jax.experimental import pallas as pl
from jax.experimental.pallas import tpu as pltpu
from jax.experimental.pallas import tpu_sc as plsc

Q = 1024
D = 128
M = 100000
K = 5
TILE_M = 2048
NEG_INF = float("-inf")

_GRID = (M + TILE_M - 1) // TILE_M
assert (_GRID - 1) * TILE_M + TILE_M // 2 <= M


def _topk_body(q_ref, mem_ref, outi_ref, rv, ri):
    i = pl.program_id(0)
    nt = pl.num_programs(0)

    @pl.when(i == 0)
    def _():
        rv[...] = jnp.full((Q, 128), NEG_INF, jnp.float32)
        ri[...] = jnp.full((Q, 128), -1.0, jnp.float32)

    q = q_ref[...]
    qn = q / jnp.maximum(jnp.sqrt(jnp.sum(q * q, axis=1, keepdims=True)), 1e-8)
    m = mem_ref[...]
    mn = m / jnp.maximum(jnp.sqrt(jnp.sum(m * m, axis=1, keepdims=True)), 1e-8)
    sims = lax.dot_general(
        qn, mn, (((1,), (1,)), ((), ())), preferred_element_type=jnp.float32
    )

    half = TILE_M // 2
    a = sims[:, :half]
    b = sims[:, half:]
    ia = jnp.float32(i * TILE_M) + lax.broadcasted_iota(
        jnp.int32, (Q, half), 1
    ).astype(jnp.float32)
    ib = ia + jnp.float32(half)
    b = jnp.where(ib < jnp.float32(M), b, NEG_INF)
    ge = a >= b
    h = jnp.where(ge, a, b)
    lo = jnp.where(ge, b, a)
    hi = jnp.where(ge, ia, ib)
    li = jnp.where(ge, ib, ia)

    cv = jnp.concatenate([rv[...], h], axis=1)
    ci = jnp.concatenate([ri[...], hi], axis=1)
    lw = jnp.concatenate([jnp.full((Q, 128), NEG_INF, jnp.float32), lo], axis=1)
    lx = jnp.concatenate([jnp.full((Q, 128), -1.0, jnp.float32), li], axis=1)
    vals, idxs = [], []
    for j in range(K):
        mx = jnp.max(cv, axis=1, keepdims=True)
        sel = jnp.min(jnp.where(cv == mx, ci, jnp.inf), axis=1, keepdims=True)
        vals.append(mx)
        idxs.append(sel)
        if j < K - 1:
            hit = ci == sel
            cv = jnp.where(hit, lw, cv)
            ci = jnp.where(hit, lx, ci)
            lw = jnp.where(hit, NEG_INF, lw)

    lane = lax.broadcasted_iota(jnp.int32, (Q, 128), 1)
    nrv = jnp.full((Q, 128), NEG_INF, jnp.float32)
    nri = jnp.full((Q, 128), -1.0, jnp.float32)
    for j in range(K):
        nrv = jnp.where(lane == j, vals[j], nrv)
        nri = jnp.where(lane == j, idxs[j], nri)
    rv[...] = nrv
    ri[...] = nri

    @pl.when(i == nt - 1)
    def _():
        outi_ref[...] = nri.astype(jnp.int32)


_topk_call = pl.pallas_call(
    _topk_body,
    grid=(_GRID,),
    in_specs=[
        pl.BlockSpec((Q, D), lambda i: (0, 0)),
        pl.BlockSpec((TILE_M, D), lambda i: (i, 0)),
    ],
    out_specs=pl.BlockSpec((Q, 128), lambda i: (0, 0)),
    out_shape=jax.ShapeDtypeStruct((Q, 128), jnp.int32),
    scratch_shapes=[
        pltpu.VMEM((Q, 128), jnp.float32),
        pltpu.VMEM((Q, 128), jnp.float32),
    ],
)


@functools.cache
def _gather_mean():
    info = plsc.get_sparse_core_info()
    nw = info.num_cores * info.num_subcores
    bpw = (Q * K) // nw
    n_ch = -(-bpw // 128)
    bpc = bpw // n_ch
    qpw = Q // nw

    mesh = plsc.VectorSubcoreMesh(core_axis_name="c", subcore_axis_name="s")

    @functools.partial(
        pl.kernel,
        mesh=mesh,
        out_type=jax.ShapeDtypeStruct((Q, D), jnp.float32),
        scratch_types=[
            pltpu.VMEM((bpw,), jnp.int32),
            pltpu.VMEM((bpw, D), jnp.float32),
            pltpu.VMEM((qpw, D), jnp.float32),
            pltpu.VMEM((16,), jnp.float32),
            pltpu.SemaphoreType.DMA,
        ],
    )
    def gather_mean(mem_hbm, idx_hbm, scale_hbm, out_hbm, idx_v, rows_v, out_v,
                    scale_v, sem):
        wid = lax.axis_index("s") * info.num_cores + lax.axis_index("c")
        base = wid * bpw
        pltpu.sync_copy(idx_hbm.at[pl.ds(base, bpw)], idx_v)
        pltpu.sync_copy(scale_hbm, scale_v)
        copies = [
            pltpu.async_copy(
                mem_hbm.at[idx_v.at[pl.ds(c * bpc, bpc)]],
                rows_v.at[pl.ds(c * bpc, bpc)],
                sem,
            )
            for c in range(n_ch)
        ]
        for cp in copies:
            cp.wait()
        scale = scale_v[...]

        def qbody(qi, carry):
            for dblk in range(D // 16):
                sl = pl.ds(dblk * 16, 16)
                acc = rows_v[qi * K, sl]
                for j in range(1, K):
                    acc = acc + rows_v[qi * K + j, sl]
                out_v[qi, sl] = acc * scale
            return carry

        lax.fori_loop(0, qpw, qbody, 0)
        pltpu.sync_copy(out_v, out_hbm.at[pl.ds(wid * qpw, qpw)])

    return gather_mean


def kernel(query_features, memory, k):
    top_idx = _topk_call(query_features, memory)
    idx_flat = top_idx[:, :K].reshape(-1)
    scale = jnp.full((16,), 1.0, jnp.float32) / k
    return _gather_mean()(memory, idx_flat, scale)

# --- scband reference (transcript-rebuilt; emitter-appended) ---
"""Pipeline reference for scband-memory-bank-31421980738217 (READ-ONLY COPY).

The authoritative reference and input builder live on the scoring server;
editing this copy changes nothing except your own understanding.
"""

import jax, jax.numpy as jnp
import numpy as np


def setup_inputs(seed: int = 0) -> dict:
    key = jax.random.key(seed)
    k1, k2 = jax.random.split(key, 2)
    query_features = jax.random.normal(k1, (1024, 128), dtype=jnp.float32)
    memory = jax.random.normal(k2, (100000, 128), dtype=jnp.float32)
    return {"query_features": query_features, "memory": memory, "k": 5}


def reference(query_features, memory, k):
    # F.cosine_similarity(q.unsqueeze(1), mem.unsqueeze(0), dim=2) computed as a
    # normalized matmul (same math, avoids materializing [Q, M, d]).
    eps = 1e-8
    q_norm = jnp.maximum(jnp.linalg.norm(query_features, axis=1, keepdims=True), eps)
    m_norm = jnp.maximum(jnp.linalg.norm(memory, axis=1, keepdims=True), eps)
    qn = query_features / q_norm
    mn = memory / m_norm
    similarities = qn @ mn.T  # [Q, M]
    k_static = 5
    _, top_idx = jax.lax.top_k(similarities, k_static)  # [Q, k]
    # memory[top_idx] -> [Q, k, d]; mean over k
    gathered = jnp.take(memory, top_idx, axis=0)
    return gathered.sum(axis=1) / k

if __name__ == "__main__":
    import jax
    _d = setup_inputs()
    print(jax.jit(kernel)(*tuple(_d.values())))

</pallas_src>

<mosaic_0001>
#map = affine_map<(d0, d1) -> (0, 0)>
#map1 = affine_map<(d0, d1) -> (0)>
module attributes {stable_mosaic.version = 14 : i64} {
  func.func @gather_mean(%arg0: i32, %arg1: i32, %arg2: memref<100000x128xf32, #tpu.memory_space<hbm>>, %arg3: memref<5120xi32, #tpu.memory_space<hbm>>, %arg4: memref<16xf32, #tpu.memory_space<hbm>>, %arg5: memref<1024x128xf32, #tpu.memory_space<hbm>>, %arg6: memref<160xi32, #tpu.memory_space<vmem>>, %arg7: memref<160x128xf32, #tpu.memory_space<vmem>>, %arg8: memref<32x128xf32, #tpu.memory_space<vmem>>, %arg9: memref<16xf32, #tpu.memory_space<vmem>>, %arg10: memref<!tpu.dma_semaphore, #tpu.memory_space<semaphore_mem>>) attributes {dimension_semantics = [#tpu.dimension_semantics<core_parallel>, #tpu.dimension_semantics<subcore_parallel>], iteration_bounds = array<i64: 2, 16>, scalar_prefetch = 0 : i64, scratch_operands = 5 : i64, tpu.core_type = #tpu.core_type<sc_vector_subcore>, window_params = [{transform_indices = #map}, {transform_indices = #map1}, {transform_indices = #map1}, {transform_indices = #map}]} {
    %mul3A = arith.constant 2 : i32
    %mul3A_0 = arith.muli %arg1, %mul3A : i32
    %add3A = arith.addi %mul3A_0, %arg0 : i32
    %mul3A_1 = arith.constant 160 : i32
    %mul3A_2 = arith.muli %add3A, %mul3A_1 : i32
    "tpu.region"() ({
      %run_scoped3A = tpu.sem_alloc : memref<!tpu.dma_semaphore, #tpu.memory_space<semaphore_mem>>
      %dma_start3A_42 = tpu.memref_slice %arg3[%mul3A_2] : memref<5120xi32, #tpu.memory_space<hbm>> -> memref<160xi32, #tpu.memory_space<hbm>>
      %dma_start3A_43 = tpu.memref_slice %arg3[%mul3A_2] : memref<5120xi32, #tpu.memory_space<hbm>> -> memref<160xi32, #tpu.memory_space<hbm>>
      tpu.enqueue_dma source(%dma_start3A_43 : memref<160xi32, #tpu.memory_space<hbm>>) target(%arg6 : memref<160xi32, #tpu.memory_space<vmem>>) target_semaphore(%run_scoped3A : memref<!tpu.dma_semaphore, #tpu.memory_space<semaphore_mem>>)
      %dma_wait3A_44 = tpu.memref_slice %arg3[%mul3A_2] : memref<5120xi32, #tpu.memory_space<hbm>> -> memref<160xi32, #tpu.memory_space<hbm>>
      %dma_wait3A_45 = tpu.memref_slice %arg3[%mul3A_2] : memref<5120xi32, #tpu.memory_space<hbm>> -> memref<160xi32, #tpu.memory_space<hbm>>
      tpu.wait_dma2 semaphore(%run_scoped3A : memref<!tpu.dma_semaphore, #tpu.memory_space<semaphore_mem>>) src(%dma_wait3A_45 : memref<160xi32, #tpu.memory_space<hbm>>) dst(%arg6 : memref<160xi32, #tpu.memory_space<vmem>>)
      tpu.yield
    }) : () -> ()
    "tpu.region"() ({
      %run_scoped3A = tpu.sem_alloc : memref<!tpu.dma_semaphore, #tpu.memory_space<semaphore_mem>>
      tpu.enqueue_dma source(%arg4 : memref<16xf32, #tpu.memory_space<hbm>>) target(%arg9 : memref<16xf32, #tpu.memory_space<vmem>>) target_semaphore(%run_scoped3A : memref<!tpu.dma_semaphore, #tpu.memory_space<semaphore_mem>>)
      tpu.wait_dma2 semaphore(%run_scoped3A : memref<!tpu.dma_semaphore, #tpu.memory_space<semaphore_mem>>) src(%arg4 : memref<16xf32, #tpu.memory_space<hbm>>) dst(%arg9 : memref<16xf32, #tpu.memory_space<vmem>>)
      tpu.yield
    }) : () -> ()
    %dma_start3A = arith.constant 0 : i32
    %dma_start3A_3 = arith.constant 0 : i32
    %dma_start3A_4 = tpu.memref_slice %arg7[%dma_start3A, %dma_start3A_3] : memref<160x128xf32, #tpu.memory_space<vmem>> -> memref<80x128xf32, #tpu.memory_space<vmem>>
    %dma_start3A_5 = arith.constant 0 : i32
    %dma_start3A_6 = tpu.memref_slice %arg6[%dma_start3A_5] : memref<160xi32, #tpu.memory_space<vmem>> -> memref<80xi32, #tpu.memory_space<vmem>>
    %dma_start3A_7 = arith.constant 0 : i32
    %dma_start3A_8 = arith.constant 0 : i32
    %dma_start3A_9 = tpu.memref_slice %arg2[%dma_start3A_7, %dma_start3A_8] : memref<100000x128xf32, #tpu.memory_space<hbm>> -> memref<100000x128xf32, #tpu.memory_space<hbm>>
    tpu.enqueue_indirect_dma source(%dma_start3A_9 : memref<100000x128xf32, #tpu.memory_space<hbm>>) target(%dma_start3A_4 : memref<80x128xf32, #tpu.memory_space<vmem>>) offsets(%dma_start3A_6 : memref<80xi32, #tpu.memory_space<vmem>>) semaphore(%arg10 : memref<!tpu.dma_semaphore, #tpu.memory_space<semaphore_mem>>)
    %dma_start3A_10 = arith.constant 80 : i32
    %dma_start3A_11 = arith.constant 0 : i32
    %dma_start3A_12 = tpu.memref_slice %arg7[%dma_start3A_10, %dma_start3A_11] : memref<160x128xf32, #tpu.memory_space<vmem>> -> memref<80x128xf32, #tpu.memory_space<vmem>>
    %dma_start3A_13 = arith.constant 80 : i32
    %dma_start3A_14 = tpu.memref_slice %arg6[%dma_start3A_13] : memref<160xi32, #tpu.memory_space<vmem>> -> memref<80xi32, #tpu.memory_space<vmem>>
    %dma_start3A_15 = arith.constant 0 : i32
    %dma_start3A_16 = arith.constant 0 : i32
    %dma_start3A_17 = tpu.memref_slice %arg2[%dma_start3A_15, %dma_start3A_16] : memref<100000x128xf32, #tpu.memory_space<hbm>> -> memref<100000x128xf32, #tpu.memory_space<hbm>>
    tpu.enqueue_indirect_dma source(%dma_start3A_17 : memref<100000x128xf32, #tpu.memory_space<hbm>>) target(%dma_start3A_12 : memref<80x128xf32, #tpu.memory_space<vmem>>) offsets(%dma_start3A_14 : memref<80xi32, #tpu.memory_space<vmem>>) semaphore(%arg10 : memref<!tpu.dma_semaphore, #tpu.memory_space<semaphore_mem>>)
    %dma_wait3A = arith.constant 0 : i32
    %dma_wait3A_18 = arith.constant 0 : i32
    %dma_wait3A_19 = tpu.memref_slice %arg7[%dma_wait3A, %dma_wait3A_18] : memref<160x128xf32, #tpu.memory_space<vmem>> -> memref<80x128xf32, #tpu.memory_space<vmem>>
    %dma_wait3A_20 = arith.constant 0 : i32
    %dma_wait3A_21 = tpu.memref_slice %arg6[%dma_wait3A_20] : memref<160xi32, #tpu.memory_space<vmem>> -> memref<80xi32, #tpu.memory_space<vmem>>
    %dma_wait3A_22 = arith.constant 0 : i32
    %dma_wait3A_23 = arith.constant 0 : i32
    %dma_wait3A_24 = tpu.memref_slice %arg2[%dma_wait3A_22, %dma_wait3A_23] : memref<100000x128xf32, #tpu.memory_space<hbm>> -> memref<100000x128xf32, #tpu.memory_space<hbm>>
    tpu.wait_indirect_dma semaphore(%arg10 : memref<!tpu.dma_semaphore, #tpu.memory_space<semaphore_mem>>) src(%dma_wait3A_24 : memref<100000x128xf32, #tpu.memory_space<hbm>>) dst(%dma_wait3A_19 : memref<80x128xf32, #tpu.memory_space<vmem>>)
    %dma_wait3A_25 = arith.constant 80 : i32
    %dma_wait3A_26 = arith.constant 0 : i32
    %dma_wait3A_27 = tpu.memref_slice %arg7[%dma_wait3A_25, %dma_wait3A_26] : memref<160x128xf32, #tpu.memory_space<vmem>> -> memref<80x128xf32, #tpu.memory_space<vmem>>
    %dma_wait3A_28 = arith.constant 80 : i32
    %dma_wait3A_29 = tpu.memref_slice %arg6[%dma_wait3A_28] : memref<160xi32, #tpu.memory_space<vmem>> -> memref<80xi32, #tpu.memory_space<vmem>>
    %dma_wait3A_30 = arith.constant 0 : i32
    %dma_wait3A_31 = arith.constant 0 : i32
    %dma_wait3A_32 = tpu.memref_slice %arg2[%dma_wait3A_30, %dma_wait3A_31] : memref<100000x128xf32, #tpu.memory_space<hbm>> -> memref<100000x128xf32, #tpu.memory_space<hbm>>
    tpu.wait_indirect_dma semaphore(%arg10 : memref<!tpu.dma_semaphore, #tpu.memory_space<semaphore_mem>>) src(%dma_wait3A_32 : memref<100000x128xf32, #tpu.memory_space<hbm>>) dst(%dma_wait3A_27 : memref<80x128xf32, #tpu.memory_space<vmem>>)
    %get3A = arith.constant 0 : index
    %get3A_33 = tpu.vector_load %arg9[%get3A] {strides = array<i32>} : memref<16xf32, #tpu.memory_space<vmem>>, vector<16xf32>,
    %get3A_34 = vector.shape_cast %get3A_33 : vector<16xf32> to vector<16xf32>
    %scan3A = arith.constant 0 : i32
    %scan3A_35 = arith.constant 0 : i32
    %scan3A_36 = arith.constant 32 : i32
    %scan3A_37 = arith.addi %scan3A_35, %scan3A_36 : i32
    %scan3A_38 = arith.constant 1 : i32
    scf.for %scan3A_42 = %scan3A_35 to %scan3A_37 step %scan3A_38  : i32 {
      %mul3A_43 = arith.constant 5 : i32
      %mul3A_44 = arith.muli %scan3A_42, %mul3A_43 : i32
      %get3A_45 = arith.index_cast %mul3A_44 : i32 to index
      %get3A_46 = arith.constant 0 : index
      %get3A_47 = tpu.vector_load %arg7[%get3A_45, %get3A_46] {strides = array<i32>} : memref<160x128xf32, #tpu.memory_space<vmem>>, vector<1x16xf32>,
      %get3A_48 = vector.shape_cast %get3A_47 : vector<1x16xf32> to vector<16xf32>
      %mul3A_49 = arith.constant 5 : i32
      %mul3A_50 = arith.muli %scan3A_42, %mul3A_49 : i32
      %add3A_51 = arith.constant 1 : i32
      %add3A_52 = arith.addi %mul3A_50, %add3A_51 : i32
      %get3A_53 = arith.index_cast %add3A_52 : i32 to index
      %get3A_54 = arith.constant 0 : index
      %get3A_55 = tpu.vector_load %arg7[%get3A_53, %get3A_54] {strides = array<i32>} : memref<160x128xf32, #tpu.memory_space<vmem>>, vector<1x16xf32>,
      %get3A_56 = vector.shape_cast %get3A_55 : vector<1x16xf32> to vector<16xf32>
      %add3A_57 = arith.addf %get3A_48, %get3A_56 : vector<16xf32>
      %mul3A_58 = arith.constant 5 : i32
      %mul3A_59 = arith.muli %scan3A_42, %mul3A_58 : i32
      %add3A_60 = arith.constant 2 : i32
      %add3A_61 = arith.addi %mul3A_59, %add3A_60 : i32
      %get3A_62 = arith.index_cast %add3A_61 : i32 to index
      %get3A_63 = arith.constant 0 : index
      %get3A_64 = tpu.vector_load %arg7[%get3A_62, %get3A_63] {strides = array<i32>} : memref<160x128xf32, #tpu.memory_space<vmem>>, vector<1x16xf32>,
      %get3A_65 = vector.shape_cast %get3A_64 : vector<1x16xf32> to vector<16xf32>
      %add3A_66 = arith.addf %add3A_57, %get3A_65 : vector<16xf32>
      %mul3A_67 = arith.constant 5 : i32
      %mul3A_68 = arith.muli %scan3A_42, %mul3A_67 : i32
      %add3A_69 = arith.constant 3 : i32
      %add3A_70 = arith.addi %mul3A_68, %add3A_69 : i32
      %get3A_71 = arith.index_cast %add3A_70 : i32 to index
      %get3A_72 = arith.constant 0 : index
      %get3A_73 = tpu.vector_load %arg7[%get3A_71, %get3A_72] {strides = array<i32>} : memref<160x128xf32, #tpu.memory_space<vmem>>, vector<1x16xf32>,
      %get3A_74 = vector.shape_cast %get3A_73 : vector<1x16xf32> to vector<16xf32>
      %add3A_75 = arith.addf %add3A_66, %get3A_74 : vector<16xf32>
      %mul3A_76 = arith.constant 5 : i32
      %mul3A_77 = arith.muli %scan3A_42, %mul3A_76 : i32
      %add3A_78 = arith.constant 4 : i32
      %add3A_79 = arith.addi %mul3A_77, %add3A_78 : i32
      %get3A_80 = arith.index_cast %add3A_79 : i32 to index
      %get3A_81 = arith.constant 0 : index
      %get3A_82 = tpu.vector_load %arg7[%get3A_80, %get3A_81] {strides = array<i32>} : memref<160x128xf32, #tpu.memory_space<vmem>>, vector<1x16xf32>,
      %get3A_83 = vector.shape_cast %get3A_82 : vector<1x16xf32> to vector<16xf32>
      %add3A_84 = arith.addf %add3A_75, %get3A_83 : vector<16xf32>
      %mul3A_85 = arith.mulf %add3A_84, %get3A_34 : vector<16xf32>
      %swap3A = arith.index_cast %scan3A_42 : i32 to index
      %swap3A_86 = arith.constant 0 : index
      %swap3A_87 = tpu.vector_load %arg8[%swap3A, %swap3A_86] {strides = array<i32>} : memref<32x128xf32, #tpu.memory_space<vmem>>, vector<1x16xf32>,
      %swap3A_88 = vector.shape_cast %swap3A_87 : vector<1x16xf32> to vector<16xf32>
      %swap3A_89 = vector.shape_cast %mul3A_85 : vector<16xf32> to vector<1x16xf32>
      tpu.vector_store %arg8[%swap3A, %swap3A_86], %swap3A_89 {strides = array<i32>} : memref<32x128xf32, #tpu.memory_space<vmem>>, vector<1x16xf32>,
      %mul3A_90 = arith.constant 5 : i32
      %mul3A_91 = arith.muli %scan3A_42, %mul3A_90 : i32
      %get3A_92 = arith.index_cast %mul3A_91 : i32 to index
      %get3A_93 = arith.constant 16 : index
      %get3A_94 = tpu.vector_load %arg7[%get3A_92, %get3A_93] {strides = array<i32>} : memref<160x128xf32, #tpu.memory_space<vmem>>, vector<1x16xf32>,
      %get3A_95 = vector.shape_cast %get3A_94 : vector<1x16xf32> to vector<16xf32>
      %mul3A_96 = arith.constant 5 : i32
      %mul3A_97 = arith.muli %scan3A_42, %mul3A_96 : i32
      %add3A_98 = arith.constant 1 : i32
      %add3A_99 = arith.addi %mul3A_97, %add3A_98 : i32
      %get3A_100 = arith.index_cast %add3A_99 : i32 to index
      %get3A_101 = arith.constant 16 : index
      %get3A_102 = tpu.vector_load %arg7[%get3A_100, %get3A_101] {strides = array<i32>} : memref<160x128xf32, #tpu.memory_space<vmem>>, vector<1x16xf32>,
      %get3A_103 = vector.shape_cast %get3A_102 : vector<1x16xf32> to vector<16xf32>
      %add3A_104 = arith.addf %get3A_95, %get3A_103 : vector<16xf32>
      %mul3A_105 = arith.constant 5 : i32
      %mul3A_106 = arith.muli %scan3A_42, %mul3A_105 : i32
      %add3A_107 = arith.constant 2 : i32
      %add3A_108 = arith.addi %mul3A_106, %add3A_107 : i32
      %get3A_109 = arith.index_cast %add3A_108 : i32 to index
      %get3A_110 = arith.constant 16 : index
      %get3A_111 = tpu.vector_load %arg7[%get3A_109, %get3A_110] {strides = array<i32>} : memref<160x128xf32, #tpu.memory_space<vmem>>, vector<1x16xf32>,
      %get3A_112 = vector.shape_cast %get3A_111 : vector<1x16xf32> to vector<16xf32>
      %add3A_113 = arith.addf %add3A_104, %get3A_112 : vector<16xf32>
      %mul3A_114 = arith.constant 5 : i32
      %mul3A_115 = arith.muli %scan3A_42, %mul3A_114 : i32
      %add3A_116 = arith.constant 3 : i32
      %add3A_117 = arith.addi %mul3A_115, %add3A_116 : i32
      %get3A_118 = arith.index_cast %add3A_117 : i32 to index
      %get3A_119 = arith.constant 16 : index
      %get3A_120 = tpu.vector_load %arg7[%get3A_118, %get3A_119] {strides = array<i32>} : memref<160x128xf32, #tpu.memory_space<vmem>>, vector<1x16xf32>,
      %get3A_121 = vector.shape_cast %get3A_120 : vector<1x16xf32> to vector<16xf32>
      %add3A_122 = arith.addf %add3A_113, %get3A_121 : vector<16xf32>
      %mul3A_123 = arith.constant 5 : i32
      %mul3A_124 = arith.muli %scan3A_42, %mul3A_123 : i32
      %add3A_125 = arith.constant 4 : i32
      %add3A_126 = arith.addi %mul3A_124, %add3A_125 : i32
      %get3A_127 = arith.index_cast %add3A_126 : i32 to index
      %get3A_128 = arith.constant 16 : index
      %get3A_129 = tpu.vector_load %arg7[%get3A_127, %get3A_128] {strides = array<i32>} : memref<160x128xf32, #tpu.memory_space<vmem>>, vector<1x16xf32>,
      %get3A_130 = vector.shape_cast %get3A_129 : vector<1x16xf32> to vector<16xf32>
      %add3A_131 = arith.addf %add3A_122, %get3A_130 : vector<16xf32>
      %mul3A_132 = arith.mulf %add3A_131, %get3A_34 : vector<16xf32>
      %swap3A_133 = arith.index_cast %scan3A_42 : i32 to index
      %swap3A_134 = arith.constant 16 : index
      %swap3A_135 = tpu.vector_load %arg8[%swap3A_133, %swap3A_134] {strides = array<i32>} : memref<32x128xf32, #tpu.memory_space<vmem>>, vector<1x16xf32>,
      %swap3A_136 = vector.shape_cast %swap3A_135 : vector<1x16xf32> to vector<16xf32>
      %swap3A_137 = vector.shape_cast %mul3A_132 : vector<16xf32> to vector<1x16xf32>
      tpu.vector_store %arg8[%swap3A_133, %swap3A_134], %swap3A_137 {strides = array<i32>} : memref<32x128xf32, #tpu.memory_space<vmem>>, vector<1x16xf32>,
      %mul3A_138 = arith.constant 5 : i32
      %mul3A_139 = arith.muli %scan3A_42, %mul3A_138 : i32
      %get3A_140 = arith.index_cast %mul3A_139 : i32 to index
      %get3A_141 = arith.constant 32 : index
      %get3A_142 = tpu.vector_load %arg7[%get3A_140, %get3A_141] {strides = array<i32>} : memref<160x128xf32, #tpu.memory_space<vmem>>, vector<1x16xf32>,
      %get3A_143 = vector.shape_cast %get3A_142 : vector<1x16xf32> to vector<16xf32>
      %mul3A_144 = arith.constant 5 : i32
      %mul3A_145 = arith.muli %scan3A_42, %mul3A_144 : i32
      %add3A_146 = arith.constant 1 : i32
      %add3A_147 = arith.addi %mul3A_145, %add3A_146 : i32
      %get3A_148 = arith.index_cast %add3A_147 : i32 to index
      %get3A_149 = arith.constant 32 : index
      %get3A_150 = tpu.vector_load %arg7[%get3A_148, %get3A_149] {strides = array<i32>} : memref<160x128xf32, #tpu.memory_space<vmem>>, vector<1x16xf32>,
      %get3A_151 = vector.shape_cast %get3A_150 : vector<1x16xf32> to vector<16xf32>
      %add3A_152 = arith.addf %get3A_143, %get3A_151 : vector<16xf32>
      %mul3A_153 = arith.constant 5 : i32
      %mul3A_154 = arith.muli %scan3A_42, %mul3A_153 : i32
      %add3A_155 = arith.constant 2 : i32
      %add3A_156 = arith.addi %mul3A_154, %add3A_155 : i32
      %get3A_157 = arith.index_cast %add3A_156 : i32 to index
      %get3A_158 = arith.constant 32 : index
      %get3A_159 = tpu.vector_load %arg7[%get3A_157, %get3A_158] {strides = array<i32>} : memref<160x128xf32, #tpu.memory_space<vmem>>, vector<1x16xf32>,
      %get3A_160 = vector.shape_cast %get3A_159 : vector<1x16xf32> to vector<16xf32>
      %add3A_161 = arith.addf %add3A_152, %get3A_160 : vector<16xf32>
      %mul3A_162 = arith.constant 5 : i32
      %mul3A_163 = arith.muli %scan3A_42, %mul3A_162 : i32
      %add3A_164 = arith.constant 3 : i32
      %add3A_165 = arith.addi %mul3A_163, %add3A_164 : i32
      %get3A_166 = arith.index_cast %add3A_165 : i32 to index
      %get3A_167 = arith.constant 32 : index
      %get3A_168 = tpu.vector_load %arg7[%get3A_166, %get3A_167] {strides = array<i32>} : memref<160x128xf32, #tpu.memory_space<vmem>>, vector<1x16xf32>,
      %get3A_169 = vector.shape_cast %get3A_168 : vector<1x16xf32> to vector<16xf32>
      %add3A_170 = arith.addf %add3A_161, %get3A_169 : vector<16xf32>
      %mul3A_171 = arith.constant 5 : i32
      %mul3A_172 = arith.muli %scan3A_42, %mul3A_171 : i32
      %add3A_173 = arith.constant 4 : i32
      %add3A_174 = arith.addi %mul3A_172, %add3A_173 : i32
      %get3A_175 = arith.index_cast %add3A_174 : i32 to index
      %get3A_176 = arith.constant 32 : index
      %get3A_177 = tpu.vector_load %arg7[%get3A_175, %get3A_176] {strides = array<i32>} : memref<160x128xf32, #tpu.memory_space<vmem>>, vector<1x16xf32>,
      %get3A_178 = vector.shape_cast %get3A_177 : vector<1x16xf32> to vector<16xf32>
      %add3A_179 = arith.addf %add3A_170, %get3A_178 : vector<16xf32>
      %mul3A_180 = arith.mulf %add3A_179, %get3A_34 : vector<16xf32>
      %swap3A_181 = arith.index_cast %scan3A_42 : i32 to index
      %swap3A_182 = arith.constant 32 : index
      %swap3A_183 = tpu.vector_load %arg8[%swap3A_181, %swap3A_182] {strides = array<i32>} : memref<32x128xf32, #tpu.memory_space<vmem>>, vector<1x16xf32>,
      %swap3A_184 = vector.shape_cast %swap3A_183 : vector<1x16xf32> to vector<16xf32>
      %swap3A_185 = vector.shape_cast %mul3A_180 : vector<16xf32> to vector<1x16xf32>
      tpu.vector_store %arg8[%swap3A_181, %swap3A_182], %swap3A_185 {strides = array<i32>} : memref<32x128xf32, #tpu.memory_space<vmem>>, vector<1x16xf32>,
      %mul3A_186 = arith.constant 5 : i32
      %mul3A_187 = arith.muli %scan3A_42, %mul3A_186 : i32
      %get3A_188 = arith.index_cast %mul3A_187 : i32 to index
      %get3A_189 = arith.constant 48 : index
      %get3A_190 = tpu.vector_load %arg7[%get3A_188, %get3A_189] {strides = array<i32>} : memref<160x128xf32, #tpu.memory_space<vmem>>, vector<1x16xf32>,
      %get3A_191 = vector.shape_cast %get3A_190 : vector<1x16xf32> to vector<16xf32>
      %mul3A_192 = arith.constant 5 : i32
      %mul3A_193 = arith.muli %scan3A_42, %mul3A_192 : i32
      %add3A_194 = arith.constant 1 : i32
      %add3A_195 = arith.addi %mul3A_193, %add3A_194 : i32
      %get3A_196 = arith.index_cast %add3A_195 : i32 to index
      %get3A_197 = arith.constant 48 : index
      %get3A_198 = tpu.vector_load %arg7[%get3A_196, %get3A_197] {strides = array<i32>} : memref<160x128xf32, #tpu.memory_space<vmem>>, vector<1x16xf32>,
      %get3A_199 = vector.shape_cast %get3A_198 : vector<1x16xf32> to vector<16xf32>
      %add3A_200 = arith.addf %get3A_191, %get3A_199 : vector<16xf32>
      %mul3A_201 = arith.constant 5 : i32
      %mul3A_202 = arith.muli %scan3A_42, %mul3A_201 : i32
      %add3A_203 = arith.constant 2 : i32
      %add3A_204 = arith.addi %mul3A_202, %add3A_203 : i32
      %get3A_205 = arith.index_cast %add3A_204 : i32 to index
      %get3A_206 = arith.constant 48 : index
      %get3A_207 = tpu.vector_load %arg7[%get3A_205, %get3A_206] {strides = array<i32>} : memref<160x128xf32, #tpu.memory_space<vmem>>, vector<1x16xf32>,
      %get3A_208 = vector.shape_cast %get3A_207 : vector<1x16xf32> to vector<16xf32>
      %add3A_209 = arith.addf %add3A_200, %get3A_208 : vector<16xf32>
      %mul3A_210 = arith.constant 5 : i32
      %mul3A_211 = arith.muli %scan3A_42, %mul3A_210 : i32
      %add3A_212 = arith.constant 3 : i32
      %add3A_213 = arith.addi %mul3A_211, %add3A_212 : i32
      %get3A_214 = arith.index_cast %add3A_213 : i32 to index
      %get3A_215 = arith.constant 48 : index
      %get3A_216 = tpu.vector_load %arg7[%get3A_214, %get3A_215] {strides = array<i32>} : memref<160x128xf32, #tpu.memory_space<vmem>>, vector<1x16xf32>,
      %get3A_217 = vector.shape_cast %get3A_216 : vector<1x16xf32> to vector<16xf32>
      %add3A_218 = arith.addf %add3A_209, %get3A_217 : vector<16xf32>
      %mul3A_219 = arith.constant 5 : i32
      %mul3A_220 = arith.muli %scan3A_42, %mul3A_219 : i32
      %add3A_221 = arith.constant 4 : i32
      %add3A_222 = arith.addi %mul3A_220, %add3A_221 : i32
      %get3A_223 = arith.index_cast %add3A_222 : i32 to index
      %get3A_224 = arith.constant 48 : index
      %get3A_225 = tpu.vector_load %arg7[%get3A_223, %get3A_224] {strides = array<i32>} : memref<160x128xf32, #tpu.memory_space<vmem>>, vector<1x16xf32>,
      %get3A_226 = vector.shape_cast %get3A_225 : vector<1x16xf32> to vector<16xf32>
      %add3A_227 = arith.addf %add3A_218, %get3A_226 : vector<16xf32>
      %mul3A_228 = arith.mulf %add3A_227, %get3A_34 : vector<16xf32>
      %swap3A_229 = arith.index_cast %scan3A_42 : i32 to index
      %swap3A_230 = arith.constant 48 : index
      %swap3A_231 = tpu.vector_load %arg8[%swap3A_229, %swap3A_230] {strides = array<i32>} : memref<32x128xf32, #tpu.memory_space<vmem>>, vector<1x16xf32>,
      %swap3A_232 = vector.shape_cast %swap3A_231 : vector<1x16xf32> to vector<16xf32>
      %swap3A_233 = vector.shape_cast %mul3A_228 : vector<16xf32> to vector<1x16xf32>
      tpu.vector_store %arg8[%swap3A_229, %swap3A_230], %swap3A_233 {strides = array<i32>} : memref<32x128xf32, #tpu.memory_space<vmem>>, vector<1x16xf32>,
      %mul3A_234 = arith.constant 5 : i32
      %mul3A_235 = arith.muli %scan3A_42, %mul3A_234 : i32
      %get3A_236 = arith.index_cast %mul3A_235 : i32 to index
      %get3A_237 = arith.constant 64 : index
      %get3A_238 = tpu.vector_load %arg7[%get3A_236, %get3A_237] {strides = array<i32>} : memref<160x128xf32, #tpu.memory_space<vmem>>, vector<1x16xf32>,
      %get3A_239 = vector.shape_cast %get3A_238 : vector<1x16xf32> to vector<16xf32>
      %mul3A_240 = arith.constant 5 : i32
      %mul3A_241 = arith.muli %scan3A_42, %mul3A_240 : i32
      %add3A_242 = arith.constant 1 : i32
      %add3A_243 = arith.addi %mul3A_241, %add3A_242 : i32
      %get3A_244 = arith.index_cast %add3A_243 : i32 to index
      %get3A_245 = arith.constant 64 : index
      %get3A_246 = tpu.vector_load %arg7[%get3A_244, %get3A_245] {strides = array<i32>} : memref<160x128xf32, #tpu.memory_space<vmem>>, vector<1x16xf32>,
      %get3A_247 = vector.shape_cast %get3A_246 : vector<1x16xf32> to vector<16xf32>
      %add3A_248 = arith.addf %get3A_239, %get3A_247 : vector<16xf32>
      %mul3A_249 = arith.constant 5 : i32
      %mul3A_250 = arith.muli %scan3A_42, %mul3A_249 : i32
      %add3A_251 = arith.constant 2 : i32
      %add3A_252 = arith.addi %mul3A_250, %add3A_251 : i32
      %get3A_253 = arith.index_cast %add3A_252 : i32 to index
      %get3A_254 = arith.constant 64 : index
      %get3A_255 = tpu.vector_load %arg7[%get3A_253, %get3A_254] {strides = array<i32>} : memref<160x128xf32, #tpu.memory_space<vmem>>, vector<1x16xf32>,
      %get3A_256 = vector.shape_cast %get3A_255 : vector<1x16xf32> to vector<16xf32>
      %add3A_257 = arith.addf %add3A_248, %get3A_256 : vector<16xf32>
      %mul3A_258 = arith.constant 5 : i32
      %mul3A_259 = arith.muli %scan3A_42, %mul3A_258 : i32
      %add3A_260 = arith.constant 3 : i32
      %add3A_261 = arith.addi %mul3A_259, %add3A_260 : i32
      %get3A_262 = arith.index_cast %add3A_261 : i32 to index
      %get3A_263 = arith.constant 64 : index
      %get3A_264 = tpu.vector_load %arg7[%get3A_262, %get3A_263] {strides = array<i32>} : memref<160x128xf32, #tpu.memory_space<vmem>>, vector<1x16xf32>,
      %get3A_265 = vector.shape_cast %get3A_264 : vector<1x16xf32> to vector<16xf32>
      %add3A_266 = arith.addf %add3A_257, %get3A_265 : vector<16xf32>
      %mul3A_267 = arith.constant 5 : i32
      %mul3A_268 = arith.muli %scan3A_42, %mul3A_267 : i32
      %add3A_269 = arith.constant 4 : i32
      %add3A_270 = arith.addi %mul3A_268, %add3A_269 : i32
      %get3A_271 = arith.index_cast %add3A_270 : i32 to index
      %get3A_272 = arith.constant 64 : index
      %get3A_273 = tpu.vector_load %arg7[%get3A_271, %get3A_272] {strides = array<i32>} : memref<160x128xf32, #tpu.memory_space<vmem>>, vector<1x16xf32>,
      %get3A_274 = vector.shape_cast %get3A_273 : vector<1x16xf32> to vector<16xf32>
      %add3A_275 = arith.addf %add3A_266, %get3A_274 : vector<16xf32>
      %mul3A_276 = arith.mulf %add3A_275, %get3A_34 : vector<16xf32>
      %swap3A_277 = arith.index_cast %scan3A_42 : i32 to index
      %swap3A_278 = arith.constant 64 : index
      %swap3A_279 = tpu.vector_load %arg8[%swap3A_277, %swap3A_278] {strides = array<i32>} : memref<32x128xf32, #tpu.memory_space<vmem>>, vector<1x16xf32>,
      %swap3A_280 = vector.shape_cast %swap3A_279 : vector<1x16xf32> to vector<16xf32>
      %swap3A_281 = vector.shape_cast %mul3A_276 : vector<16xf32> to vector<1x16xf32>
      tpu.vector_store %arg8[%swap3A_277, %swap3A_278], %swap3A_281 {strides = array<i32>} : memref<32x128xf32, #tpu.memory_space<vmem>>, vector<1x16xf32>,
      %mul3A_282 = arith.constant 5 : i32
      %mul3A_283 = arith.muli %scan3A_42, %mul3A_282 : i32
      %get3A_284 = arith.index_cast %mul3A_283 : i32 to index
      %get3A_285 = arith.constant 80 : index
      %get3A_286 = tpu.vector_load %arg7[%get3A_284, %get3A_285] {strides = array<i32>} : memref<160x128xf32, #tpu.memory_space<vmem>>, vector<1x16xf32>,
      %get3A_287 = vector.shape_cast %get3A_286 : vector<1x16xf32> to vector<16xf32>
      %mul3A_288 = arith.constant 5 : i32
      %mul3A_289 = arith.muli %scan3A_42, %mul3A_288 : i32
      %add3A_290 = arith.constant 1 : i32
      %add3A_291 = arith.addi %mul3A_289, %add3A_290 : i32
      %get3A_292 = arith.index_cast %add3A_291 : i32 to index
      %get3A_293 = arith.constant 80 : index
      %get3A_294 = tpu.vector_load %arg7[%get3A_292, %get3A_293] {strides = array<i32>} : memref<160x128xf32, #tpu.memory_space<vmem>>, vector<1x16xf32>,
      %get3A_295 = vector.shape_cast %get3A_294 : vector<1x16xf32> to vector<16xf32>
      %add3A_296 = arith.addf %get3A_287, %get3A_295 : vector<16xf32>
      %mul3A_297 = arith.constant 5 : i32
      %mul3A_298 = arith.muli %scan3A_42, %mul3A_297 : i32
      %add3A_299 = arith.constant 2 : i32
      %add3A_300 = arith.addi %mul3A_298, %add3A_299 : i32
      %get3A_301 = arith.index_cast %add3A_300 : i32 to index
      %get3A_302 = arith.constant 80 : index
      %get3A_303 = tpu.vector_load %arg7[%get3A_301, %get3A_302] {strides = array<i32>} : memref<160x128xf32, #tpu.memory_space<vmem>>, vector<1x16xf32>,
      %get3A_304 = vector.shape_cast %get3A_303 : vector<1x16xf32> to vector<16xf32>
      %add3A_305 = arith.addf %add3A_296, %get3A_304 : vector<16xf32>
      %mul3A_306 = arith.constant 5 : i32
      %mul3A_307 = arith.muli %scan3A_42, %mul3A_306 : i32
      %add3A_308 = arith.constant 3 : i32
      %add3A_309 = arith.addi %mul3A_307, %add3A_308 : i32
      %get3A_310 = arith.index_cast %add3A_309 : i32 to index
      %get3A_311 = arith.constant 80 : index
      %get3A_312 = tpu.vector_load %arg7[%get3A_310, %get3A_311] {strides = array<i32>} : memref<160x128xf32, #tpu.memory_space<vmem>>, vector<1x16xf32>,
      %get3A_313 = vector.shape_cast %get3A_312 : vector<1x16xf32> to vector<16xf32>
      %add3A_314 = arith.addf %add3A_305, %get3A_313 : vector<16xf32>
      %mul3A_315 = arith.constant 5 : i32
      %mul3A_316 = arith.muli %scan3A_42, %mul3A_315 : i32
      %add3A_317 = arith.constant 4 : i32
      %add3A_318 = arith.addi %mul3A_316, %add3A_317 : i32
      %get3A_319 = arith.index_cast %add3A_318 : i32 to index
      %get3A_320 = arith.constant 80 : index
      %get3A_321 = tpu.vector_load %arg7[%get3A_319, %get3A_320] {strides = array<i32>} : memref<160x128xf32, #tpu.memory_space<vmem>>, vector<1x16xf32>,
      %get3A_322 = vector.shape_cast %get3A_321 : vector<1x16xf32> to vector<16xf32>
      %add3A_323 = arith.addf %add3A_314, %get3A_322 : vector<16xf32>
      %mul3A_324 = arith.mulf %add3A_323, %get3A_34 : vector<16xf32>
      %swap3A_325 = arith.index_cast %scan3A_42 : i32 to index
      %swap3A_326 = arith.constant 80 : index
      %swap3A_327 = tpu.vector_load %arg8[%swap3A_325, %swap3A_326] {strides = array<i32>} : memref<32x128xf32, #tpu.memory_space<vmem>>, vector<1x16xf32>,
      %swap3A_328 = vector.shape_cast %swap3A_327 : vector<1x16xf32> to vector<16xf32>
      %swap3A_329 = vector.shape_cast %mul3A_324 : vector<16xf32> to vector<1x16xf32>
      tpu.vector_store %arg8[%swap3A_325, %swap3A_326], %swap3A_329 {strides = array<i32>} : memref<32x128xf32, #tpu.memory_space<vmem>>, vector<1x16xf32>,
      %mul3A_330 = arith.constant 5 : i32
      %mul3A_331 = arith.muli %scan3A_42, %mul3A_330 : i32
      %get3A_332 = arith.index_cast %mul3A_331 : i32 to index
      %get3A_333 = arith.constant 96 : index
      %get3A_334 = tpu.vector_load %arg7[%get3A_332, %get3A_333] {strides = array<i32>} : memref<160x128xf32, #tpu.memory_space<vmem>>, vector<1x16xf32>,
      %get3A_335 = vector.shape_cast %get3A_334 : vector<1x16xf32> to vector<16xf32>
      %mul3A_336 = arith.constant 5 : i32
      %mul3A_337 = arith.muli %scan3A_42, %mul3A_336 : i32
      %add3A_338 = arith.constant 1 : i32
      %add3A_339 = arith.addi %mul3A_337, %add3A_338 : i32
      %get3A_340 = arith.index_cast %add3A_339 : i32 to index
      %get3A_341 = arith.constant 96 : index
      %get3A_342 = tpu.vector_load %arg7[%get3A_340, %get3A_341] {strides = array<i32>} : memref<160x128xf32, #tpu.memory_space<vmem>>, vector<1x16xf32>,
      %get3A_343 = vector.shape_cast %get3A_342 : vector<1x16xf32> to vector<16xf32>
      %add3A_344 = arith.addf %get3A_335, %get3A_343 : vector<16xf32>
      %mul3A_345 = arith.constant 5 : i32
      %mul3A_346 = arith.muli %scan3A_42, %mul3A_345 : i32
      %add3A_347 = arith.constant 2 : i32
      %add3A_348 = arith.addi %mul3A_346, %add3A_347 : i32
      %get3A_349 = arith.index_cast %add3A_348 : i32 to index
      %get3A_350 = arith.constant 96 : index
      %get3A_351 = tpu.vector_load %arg7[%get3A_349, %get3A_350] {strides = array<i32>} : memref<160x128xf32, #tpu.memory_space<vmem>>, vector<1x16xf32>,
      %get3A_352 = vector.shape_cast %get3A_351 : vector<1x16xf32> to vector<16xf32>
      %add3A_353 = arith.addf %add3A_344, %get3A_352 : vector<16xf32>
      %mul3A_354 = arith.constant 5 : i32
      %mul3A_355 = arith.muli %scan3A_42, %mul3A_354 : i32
      %add3A_356 = arith.constant 3 : i32
      %add3A_357 = arith.addi %mul3A_355, %add3A_356 : i32
      %get3A_358 = arith.index_cast %add3A_357 : i32 to index
      %get3A_359 = arith.constant 96 : index
      %get3A_360 = tpu.vector_load %arg7[%get3A_358, %get3A_359] {strides = array<i32>} : memref<160x128xf32, #tpu.memory_space<vmem>>, vector<1x16xf32>,
      %get3A_361 = vector.shape_cast %get3A_360 : vector<1x16xf32> to vector<16xf32>
      %add3A_362 = arith.addf %add3A_353, %get3A_361 : vector<16xf32>
      %mul3A_363 = arith.constant 5 : i32
      %mul3A_364 = arith.muli %scan3A_42, %mul3A_363 : i32
      %add3A_365 = arith.constant 4 : i32
      %add3A_366 = arith.addi %mul3A_364, %add3A_365 : i32
      %get3A_367 = arith.index_cast %add3A_366 : i32 to index
      %get3A_368 = arith.constant 96 : index
      %get3A_369 = tpu.vector_load %arg7[%get3A_367, %get3A_368] {strides = array<i32>} : memref<160x128xf32, #tpu.memory_space<vmem>>, vector<1x16xf32>,
      %get3A_370 = vector.shape_cast %get3A_369 : vector<1x16xf32> to vector<16xf32>
      %add3A_371 = arith.addf %add3A_362, %get3A_370 : vector<16xf32>
      %mul3A_372 = arith.mulf %add3A_371, %get3A_34 : vector<16xf32>
      %swap3A_373 = arith.index_cast %scan3A_42 : i32 to index
      %swap3A_374 = arith.constant 96 : index
      %swap3A_375 = tpu.vector_load %arg8[%swap3A_373, %swap3A_374] {strides = array<i32>} : memref<32x128xf32, #tpu.memory_space<vmem>>, vector<1x16xf32>,
      %swap3A_376 = vector.shape_cast %swap3A_375 : vector<1x16xf32> to vector<16xf32>
      %swap3A_377 = vector.shape_cast %mul3A_372 : vector<16xf32> to vector<1x16xf32>
      tpu.vector_store %arg8[%swap3A_373, %swap3A_374], %swap3A_377 {strides = array<i32>} : memref<32x128xf32, #tpu.memory_space<vmem>>, vector<1x16xf32>,
      %mul3A_378 = arith.constant 5 : i32
      %mul3A_379 = arith.muli %scan3A_42, %mul3A_378 : i32
      %get3A_380 = arith.index_cast %mul3A_379 : i32 to index
      %get3A_381 = arith.constant 112 : index
      %get3A_382 = tpu.vector_load %arg7[%get3A_380, %get3A_381] {strides = array<i32>} : memref<160x128xf32, #tpu.memory_space<vmem>>, vector<1x16xf32>,
      %get3A_383 = vector.shape_cast %get3A_382 : vector<1x16xf32> to vector<16xf32>
      %mul3A_384 = arith.constant 5 : i32
      %mul3A_385 = arith.muli %scan3A_42, %mul3A_384 : i32
      %add3A_386 = arith.constant 1 : i32
      %add3A_387 = arith.addi %mul3A_385, %add3A_386 : i32
      %get3A_388 = arith.index_cast %add3A_387 : i32 to index
      %get3A_389 = arith.constant 112 : index
      %get3A_390 = tpu.vector_load %arg7[%get3A_388, %get3A_389] {strides = array<i32>} : memref<160x128xf32, #tpu.memory_space<vmem>>, vector<1x16xf32>,
      %get3A_391 = vector.shape_cast %get3A_390 : vector<1x16xf32> to vector<16xf32>
      %add3A_392 = arith.addf %get3A_383, %get3A_391 : vector<16xf32>
      %mul3A_393 = arith.constant 5 : i32
      %mul3A_394 = arith.muli %scan3A_42, %mul3A_393 : i32
      %add3A_395 = arith.constant 2 : i32
      %add3A_396 = arith.addi %mul3A_394, %add3A_395 : i32
      %get3A_397 = arith.index_cast %add3A_396 : i32 to index
      %get3A_398 = arith.constant 112 : index
      %get3A_399 = tpu.vector_load %arg7[%get3A_397, %get3A_398] {strides = array<i32>} : memref<160x128xf32, #tpu.memory_space<vmem>>, vector<1x16xf32>,
      %get3A_400 = vector.shape_cast %get3A_399 : vector<1x16xf32> to vector<16xf32>
      %add3A_401 = arith.addf %add3A_392, %get3A_400 : vector<16xf32>
      %mul3A_402 = arith.constant 5 : i32
      %mul3A_403 = arith.muli %scan3A_42, %mul3A_402 : i32
      %add3A_404 = arith.constant 3 : i32
      %add3A_405 = arith.addi %mul3A_403, %add3A_404 : i32
      %get3A_406 = arith.index_cast %add3A_405 : i32 to index
      %get3A_407 = arith.constant 112 : index
      %get3A_408 = tpu.vector_load %arg7[%get3A_406, %get3A_407] {strides = array<i32>} : memref<160x128xf32, #tpu.memory_space<vmem>>, vector<1x16xf32>,
      %get3A_409 = vector.shape_cast %get3A_408 : vector<1x16xf32> to vector<16xf32>
      %add3A_410 = arith.addf %add3A_401, %get3A_409 : vector<16xf32>
      %mul3A_411 = arith.constant 5 : i32
      %mul3A_412 = arith.muli %scan3A_42, %mul3A_411 : i32
      %add3A_413 = arith.constant 4 : i32
      %add3A_414 = arith.addi %mul3A_412, %add3A_413 : i32
      %get3A_415 = arith.index_cast %add3A_414 : i32 to index
      %get3A_416 = arith.constant 112 : index
      %get3A_417 = tpu.vector_load %arg7[%get3A_415, %get3A_416] {strides = array<i32>} : memref<160x128xf32, #tpu.memory_space<vmem>>, vector<1x16xf32>,
      %get3A_418 = vector.shape_cast %get3A_417 : vector<1x16xf32> to vector<16xf32>
      %add3A_419 = arith.addf %add3A_410, %get3A_418 : vector<16xf32>
      %mul3A_420 = arith.mulf %add3A_419, %get3A_34 : vector<16xf32>
      %swap3A_421 = arith.index_cast %scan3A_42 : i32 to index
      %swap3A_422 = arith.constant 112 : index
      %swap3A_423 = tpu.vector_load %arg8[%swap3A_421, %swap3A_422] {strides = array<i32>} : memref<32x128xf32, #tpu.memory_space<vmem>>, vector<1x16xf32>,
      %swap3A_424 = vector.shape_cast %swap3A_423 : vector<1x16xf32> to vector<16xf32>
      %swap3A_425 = vector.shape_cast %mul3A_420 : vector<16xf32> to vector<1x16xf32>
      tpu.vector_store %arg8[%swap3A_421, %swap3A_422], %swap3A_425 {strides = array<i32>} : memref<32x128xf32, #tpu.memory_space<vmem>>, vector<1x16xf32>,
    }
    %scan3A_39 = arith.constant 32 : i32
    %mul3A_40 = arith.constant 32 : i32
    %mul3A_41 = arith.muli %add3A, %mul3A_40 : i32
    "tpu.region"() ({
      %run_scoped3A = tpu.sem_alloc : memref<!tpu.dma_semaphore, #tpu.memory_space<semaphore_mem>>
      %dma_start3A_42 = arith.constant 0 : i32
      %dma_start3A_43 = tpu.memref_slice %arg5[%mul3A_41, %dma_start3A_42] : memref<1024x128xf32, #tpu.memory_space<hbm>> -> memref<32x128xf32, #tpu.memory_space<hbm>>
      %dma_start3A_44 = arith.constant 0 : i32
      %dma_start3A_45 = tpu.memref_slice %arg5[%mul3A_41, %dma_start3A_44] : memref<1024x128xf32, #tpu.memory_space<hbm>> -> memref<32x128xf32, #tpu.memory_space<hbm>>
      tpu.enqueue_dma source(%arg8 : memref<32x128xf32, #tpu.memory_space<vmem>>) target(%dma_start3A_45 : memref<32x128xf32, #tpu.memory_space<hbm>>) target_semaphore(%run_scoped3A : memref<!tpu.dma_semaphore, #tpu.memory_space<semaphore_mem>>)
      %dma_wait3A_46 = arith.constant 0 : i32
      %dma_wait3A_47 = tpu.memref_slice %arg5[%mul3A_41, %dma_wait3A_46] : memref<1024x128xf32, #tpu.memory_space<hbm>> -> memref<32x128xf32, #tpu.memory_space<hbm>>
      %dma_wait3A_48 = arith.constant 0 : i32
      %dma_wait3A_49 = tpu.memref_slice %arg5[%mul3A_41, %dma_wait3A_48] : memref<1024x128xf32, #tpu.memory_space<hbm>> -> memref<32x128xf32, #tpu.memory_space<hbm>>
      tpu.wait_dma2 semaphore(%run_scoped3A : memref<!tpu.dma_semaphore, #tpu.memory_space<semaphore_mem>>) src(%arg8 : memref<32x128xf32, #tpu.memory_space<vmem>>) dst(%dma_wait3A_49 : memref<32x128xf32, #tpu.memory_space<hbm>>)
      tpu.yield
    }) : () -> ()
    return
  }
}

module attributes {stable_mosaic.version = 14 : i64} {
  func.func @_topk_body(%arg0: i32, %arg1: memref<1024x128xf32, #tpu.memory_space<vmem>>, %arg2: memref<2048x128xf32, #tpu.memory_space<vmem>>, %arg3: memref<1024x128xi32, #tpu.memory_space<vmem>>, %arg4: memref<1024x128xf32, #tpu.memory_space<vmem>>, %arg5: memref<1024x128xf32, #tpu.memory_space<vmem>>) attributes {dimension_semantics = [#tpu.dimension_semantics<arbitrary>], iteration_bounds = array<i64: 49>, scalar_prefetch = 0 : i64, scratch_operands = 2 : i64, tpu.core_type = #tpu.core_type<tc>, window_params = [{pipeline_mode = #tpu.pipeline_mode<synchronous>, transform_indices = @transform_0, window_bounds = array<i64: 1024, 128>}, {transform_indices = @transform_1, window_bounds = array<i64: 2048, 128>}, {pipeline_mode = #tpu.pipeline_mode<synchronous>, transform_indices = @transform_2, window_bounds = array<i64: 1024, 128>}]} {
    %eq3A = arith.constant 0 : i32
    %eq3A_0 = arith.cmpi eq, %arg0, %eq3A : i32
    %convert_element_type3A = arith.extui %eq3A_0 : i1 to i32
    %cond3A = arith.constant 0 : i32
    %cond3A_1 = arith.cmpi ne, %convert_element_type3A, %cond3A : i32
    scf.if %cond3A_1 {
      %broadcast_in_dim3A_204 = arith.constant 0xFF800000 : f32
      %broadcast_in_dim3A_205 = vector.broadcast %broadcast_in_dim3A_204 : f32 to vector<1024x128xf32>
      %swap3A_206 = arith.constant 0 : index
      %swap3A_207 = arith.constant 0 : index
      %swap3A_208 = vector.load %arg4[%swap3A_206, %swap3A_207] : memref<1024x128xf32, #tpu.memory_space<vmem>>, vector<1024x128xf32>
      tpu.vector_store %arg4[%swap3A_206, %swap3A_207], %broadcast_in_dim3A_205 {strides = array<i32>} : memref<1024x128xf32, #tpu.memory_space<vmem>>, vector<1024x128xf32>,
      %broadcast_in_dim3A_209 = arith.constant -1.000000e+00 : f32
      %broadcast_in_dim3A_210 = vector.broadcast %broadcast_in_dim3A_209 : f32 to vector<1024x128xf32>
      %swap3A_211 = arith.constant 0 : index
      %swap3A_212 = arith.constant 0 : index
      %swap3A_213 = vector.load %arg5[%swap3A_211, %swap3A_212] : memref<1024x128xf32, #tpu.memory_space<vmem>>, vector<1024x128xf32>
      tpu.vector_store %arg5[%swap3A_211, %swap3A_212], %broadcast_in_dim3A_210 {strides = array<i32>} : memref<1024x128xf32, #tpu.memory_space<vmem>>, vector<1024x128xf32>,
    } else {
    }
    %get3A = arith.constant 0 : index
    %get3A_2 = arith.constant 0 : index
    %get3A_3 = vector.load %arg1[%get3A, %get3A_2] : memref<1024x128xf32, #tpu.memory_space<vmem>>, vector<1024x128xf32>
    %mul3A = arith.mulf %get3A_3, %get3A_3 : vector<1024x128xf32>
    %reduce_sum3A = arith.constant dense<0.000000e+00> : vector<1024xf32>
    %reduce_sum3A_4 = vector.multi_reduction <add>, %mul3A, %reduce_sum3A [1] : vector<1024x128xf32> to vector<1024xf32>
    %broadcast_in_dim3A = vector.shape_cast %reduce_sum3A_4 : vector<1024xf32> to vector<1024x1xf32>
    %sqrt3A = math.sqrt %broadcast_in_dim3A : vector<1024x1xf32>
    %max3A = arith.constant 9.99999993E-9 : f32
    %max3A_5 = vector.broadcast %max3A : f32 to vector<1024x1xf32>
    %max3A_6 = arith.maximumf %sqrt3A, %max3A_5 : vector<1024x1xf32>
    %div3A = vector.broadcast %max3A_6 : vector<1024x1xf32> to vector<1024x128xf32>
    %div3A_7 = arith.divf %get3A_3, %div3A : vector<1024x128xf32>
    %get3A_8 = arith.constant 0 : index
    %get3A_9 = arith.constant 0 : index
    %get3A_10 = vector.load %arg2[%get3A_8, %get3A_9] : memref<2048x128xf32, #tpu.memory_space<vmem>>, vector<2048x128xf32>
    %mul3A_11 = arith.mulf %get3A_10, %get3A_10 : vector<2048x128xf32>
    %reduce_sum3A_12 = arith.constant dense<0.000000e+00> : vector<2048xf32>
    %reduce_sum3A_13 = vector.multi_reduction <add>, %mul3A_11, %reduce_sum3A_12 [1] : vector<2048x128xf32> to vector<2048xf32>
    %broadcast_in_dim3A_14 = vector.shape_cast %reduce_sum3A_13 : vector<2048xf32> to vector<2048x1xf32>
    %sqrt3A_15 = math.sqrt %broadcast_in_dim3A_14 : vector<2048x1xf32>
    %max3A_16 = arith.constant 9.99999993E-9 : f32
    %max3A_17 = vector.broadcast %max3A_16 : f32 to vector<2048x1xf32>
    %max3A_18 = arith.maximumf %sqrt3A_15, %max3A_17 : vector<2048x1xf32>
    %div3A_19 = vector.broadcast %max3A_18 : vector<2048x1xf32> to vector<2048x128xf32>
    %div3A_20 = arith.divf %get3A_10, %div3A_19 : vector<2048x128xf32>
    %dot_general3A = arith.constant dense<0.000000e+00> : vector<1024x2048xf32>
    %dot_general3A_21 = tpu.matmul %div3A_7, %div3A_20, %dot_general3A {dimension_numbers = #tpu.dot_dimension_numbers<[1], [1], [0], [0], [0, 0, 1, 0], [], []>, transpose_lhs_hint = false} : vector<1024x128xf32>, vector<2048x128xf32>, vector<1024x2048xf32> -> vector<1024x2048xf32>
    %slice3A = vector.extract_strided_slice %dot_general3A_21 {offsets = [0, 0], sizes = [1024, 1024], strides = [1, 1]} : vector<1024x2048xf32> to vector<1024x1024xf32>
    %slice3A_22 = vector.extract_strided_slice %dot_general3A_21 {offsets = [0, 1024], sizes = [1024, 1024], strides = [1, 1]} : vector<1024x2048xf32> to vector<1024x1024xf32>
    %mul3A_23 = arith.constant 2048 : i32
    %mul3A_24 = arith.muli %arg0, %mul3A_23 : i32
    %convert_element_type3A_25 = arith.sitofp %mul3A_24 : i32 to f32
    %iota3A = tpu.iota {dimensions = array<i32: 1>} : vector<1024x1024xi32>
    %convert_element_type3A_26 = arith.sitofp %iota3A : vector<1024x1024xi32> to vector<1024x1024xf32>
    %add3A = vector.broadcast %convert_element_type3A_25 : f32 to vector<1024x1024xf32>
    %add3A_27 = arith.addf %add3A, %convert_element_type3A_26 : vector<1024x1024xf32>
    %add3A_28 = arith.constant 1.024000e+03 : f32
    %add3A_29 = vector.broadcast %add3A_28 : f32 to vector<1024x1024xf32>
    %add3A_30 = arith.addf %add3A_27, %add3A_29 : vector<1024x1024xf32>
    %lt3A = arith.constant 1.000000e+05 : f32
    %lt3A_31 = vector.broadcast %lt3A : f32 to vector<1024x1024xf32>
    %lt3A_32 = arith.cmpf olt, %add3A_30, %lt3A_31 : vector<1024x1024xf32>
    %jit3A = arith.constant 0xFF800000 : f32
    %broadcast_in_dim3A_33 = vector.broadcast %jit3A : f32 to vector<1024x1024xf32>
    %select_n3A = arith.select %lt3A_32, %slice3A_22, %broadcast_in_dim3A_33 : vector<1024x1024xi1>, vector<1024x1024xf32>
    %ge3A = arith.cmpf oge, %slice3A, %select_n3A : vector<1024x1024xf32>
    %select_n3A_34 = arith.select %ge3A, %slice3A, %select_n3A : vector<1024x1024xi1>, vector<1024x1024xf32>
    %select_n3A_35 = arith.select %ge3A, %select_n3A, %slice3A : vector<1024x1024xi1>, vector<1024x1024xf32>
    %select_n3A_36 = arith.select %ge3A, %add3A_27, %add3A_30 : vector<1024x1024xi1>, vector<1024x1024xf32>
    %select_n3A_37 = arith.select %ge3A, %add3A_30, %add3A_27 : vector<1024x1024xi1>, vector<1024x1024xf32>
    %get3A_38 = arith.constant 0 : index
    %get3A_39 = arith.constant 0 : index
    %get3A_40 = vector.load %arg4[%get3A_38, %get3A_39] : memref<1024x128xf32, #tpu.memory_space<vmem>>, vector<1024x128xf32>
    %concatenate3A = tpu.concatenate %get3A_40, %select_n3A_34 in 1 : vector<1024x128xf32>, vector<1024x1024xf32> -> vector<1024x1152xf32>
    %get3A_41 = arith.constant 0 : index
    %get3A_42 = arith.constant 0 : index
    %get3A_43 = vector.load %arg5[%get3A_41, %get3A_42] : memref<1024x128xf32, #tpu.memory_space<vmem>>, vector<1024x128xf32>
    %concatenate3A_44 = tpu.concatenate %get3A_43, %select_n3A_36 in 1 : vector<1024x128xf32>, vector<1024x1024xf32> -> vector<1024x1152xf32>
    %broadcast_in_dim3A_45 = arith.constant 0xFF800000 : f32
    %broadcast_in_dim3A_46 = vector.broadcast %broadcast_in_dim3A_45 : f32 to vector<1024x128xf32>
    %concatenate3A_47 = tpu.concatenate %broadcast_in_dim3A_46, %select_n3A_35 in 1 : vector<1024x128xf32>, vector<1024x1024xf32> -> vector<1024x1152xf32>
    %broadcast_in_dim3A_48 = arith.constant -1.000000e+00 : f32
    %broadcast_in_dim3A_49 = vector.broadcast %broadcast_in_dim3A_48 : f32 to vector<1024x128xf32>
    %concatenate3A_50 = tpu.concatenate %broadcast_in_dim3A_49, %select_n3A_37 in 1 : vector<1024x128xf32>, vector<1024x1024xf32> -> vector<1024x1152xf32>
    %reduce_max3A = arith.constant dense<0xFF800000> : vector<1024xf32>
    %reduce_max3A_51 = vector.multi_reduction <maximumf>, %concatenate3A, %reduce_max3A [1] : vector<1024x1152xf32> to vector<1024xf32>
    %broadcast_in_dim3A_52 = vector.shape_cast %reduce_max3A_51 : vector<1024xf32> to vector<1024x1xf32>
    %eq3A_53 = vector.broadcast %broadcast_in_dim3A_52 : vector<1024x1xf32> to vector<1024x1152xf32>
    %eq3A_54 = arith.cmpf oeq, %concatenate3A, %eq3A_53 : vector<1024x1152xf32>
    %jit3A_55 = arith.constant 0x7F800000 : f32
    %broadcast_in_dim3A_56 = vector.broadcast %jit3A_55 : f32 to vector<1024x1152xf32>
    %select_n3A_57 = arith.select %eq3A_54, %concatenate3A_44, %broadcast_in_dim3A_56 : vector<1024x1152xi1>, vector<1024x1152xf32>
    %reduce_min3A = arith.constant dense<0x7F800000> : vector<1024xf32>
    %reduce_min3A_58 = vector.multi_reduction <minimumf>, %select_n3A_57, %reduce_min3A [1] : vector<1024x1152xf32> to vector<1024xf32>
    %broadcast_in_dim3A_59 = vector.shape_cast %reduce_min3A_58 : vector<1024xf32> to vector<1024x1xf32>
    %eq3A_60 = vector.broadcast %broadcast_in_dim3A_59 : vector<1024x1xf32> to vector<1024x1152xf32>
    %eq3A_61 = arith.cmpf oeq, %concatenate3A_44, %eq3A_60 : vector<1024x1152xf32>
    %select_n3A_62 = arith.select %eq3A_61, %concatenate3A_47, %concatenate3A : vector<1024x1152xi1>, vector<1024x1152xf32>
    %select_n3A_63 = arith.select %eq3A_61, %concatenate3A_50, %concatenate3A_44 : vector<1024x1152xi1>, vector<1024x1152xf32>
    %jit3A_64 = arith.constant 0xFF800000 : f32
    %broadcast_in_dim3A_65 = vector.broadcast %jit3A_64 : f32 to vector<1024x1152xf32>
    %select_n3A_66 = arith.select %eq3A_61, %broadcast_in_dim3A_65, %concatenate3A_47 : vector<1024x1152xi1>, vector<1024x1152xf32>
    %reduce_max3A_67 = arith.constant dense<0xFF800000> : vector<1024xf32>
    %reduce_max3A_68 = vector.multi_reduction <maximumf>, %select_n3A_62, %reduce_max3A_67 [1] : vector<1024x1152xf32> to vector<1024xf32>
    %broadcast_in_dim3A_69 = vector.shape_cast %reduce_max3A_68 : vector<1024xf32> to vector<1024x1xf32>
    %eq3A_70 = vector.broadcast %broadcast_in_dim3A_69 : vector<1024x1xf32> to vector<1024x1152xf32>
    %eq3A_71 = arith.cmpf oeq, %select_n3A_62, %eq3A_70 : vector<1024x1152xf32>
    %jit3A_72 = arith.constant 0x7F800000 : f32
    %broadcast_in_dim3A_73 = vector.broadcast %jit3A_72 : f32 to vector<1024x1152xf32>
    %select_n3A_74 = arith.select %eq3A_71, %select_n3A_63, %broadcast_in_dim3A_73 : vector<1024x1152xi1>, vector<1024x1152xf32>
    %reduce_min3A_75 = arith.constant dense<0x7F800000> : vector<1024xf32>
    %reduce_min3A_76 = vector.multi_reduction <minimumf>, %select_n3A_74, %reduce_min3A_75 [1] : vector<1024x1152xf32> to vector<1024xf32>
    %broadcast_in_dim3A_77 = vector.shape_cast %reduce_min3A_76 : vector<1024xf32> to vector<1024x1xf32>
    %eq3A_78 = vector.broadcast %broadcast_in_dim3A_77 : vector<1024x1xf32> to vector<1024x1152xf32>
    %eq3A_79 = arith.cmpf oeq, %select_n3A_63, %eq3A_78 : vector<1024x1152xf32>
    %select_n3A_80 = arith.select %eq3A_79, %select_n3A_66, %select_n3A_62 : vector<1024x1152xi1>, vector<1024x1152xf32>
    %select_n3A_81 = arith.select %eq3A_79, %concatenate3A_50, %select_n3A_63 : vector<1024x1152xi1>, vector<1024x1152xf32>
    %jit3A_82 = arith.constant 0xFF800000 : f32
    %broadcast_in_dim3A_83 = vector.broadcast %jit3A_82 : f32 to vector<1024x1152xf32>
    %select_n3A_84 = arith.select %eq3A_79, %broadcast_in_dim3A_83, %select_n3A_66 : vector<1024x1152xi1>, vector<1024x1152xf32>
    %reduce_max3A_85 = arith.constant dense<0xFF800000> : vector<1024xf32>
    %reduce_max3A_86 = vector.multi_reduction <maximumf>, %select_n3A_80, %reduce_max3A_85 [1] : vector<1024x1152xf32> to vector<1024xf32>
    %broadcast_in_dim3A_87 = vector.shape_cast %reduce_max3A_86 : vector<1024xf32> to vector<1024x1xf32>
    %eq3A_88 = vector.broadcast %broadcast_in_dim3A_87 : vector<1024x1xf32> to vector<1024x1152xf32>
    %eq3A_89 = arith.cmpf oeq, %select_n3A_80, %eq3A_88 : vector<1024x1152xf32>
    %jit3A_90 = arith.constant 0x7F800000 : f32
    %broadcast_in_dim3A_91 = vector.broadcast %jit3A_90 : f32 to vector<1024x1152xf32>
    %select_n3A_92 = arith.select %eq3A_89, %select_n3A_81, %broadcast_in_dim3A_91 : vector<1024x1152xi1>, vector<1024x1152xf32>
    %reduce_min3A_93 = arith.constant dense<0x7F800000> : vector<1024xf32>
    %reduce_min3A_94 = vector.multi_reduction <minimumf>, %select_n3A_92, %reduce_min3A_93 [1] : vector<1024x1152xf32> to vector<1024xf32>
    %broadcast_in_dim3A_95 = vector.shape_cast %reduce_min3A_94 : vector<1024xf32> to vector<1024x1xf32>
    %eq3A_96 = vector.broadcast %broadcast_in_dim3A_95 : vector<1024x1xf32> to vector<1024x1152xf32>
    %eq3A_97 = arith.cmpf oeq, %select_n3A_81, %eq3A_96 : vector<1024x1152xf32>
    %select_n3A_98 = arith.select %eq3A_97, %select_n3A_84, %select_n3A_80 : vector<1024x1152xi1>, vector<1024x1152xf32>
    %select_n3A_99 = arith.select %eq3A_97, %concatenate3A_50, %select_n3A_81 : vector<1024x1152xi1>, vector<1024x1152xf32>
    %jit3A_100 = arith.constant 0xFF800000 : f32
    %broadcast_in_dim3A_101 = vector.broadcast %jit3A_100 : f32 to vector<1024x1152xf32>
    %select_n3A_102 = arith.select %eq3A_97, %broadcast_in_dim3A_101, %select_n3A_84 : vector<1024x1152xi1>, vector<1024x1152xf32>
    %reduce_max3A_103 = arith.constant dense<0xFF800000> : vector<1024xf32>
    %reduce_max3A_104 = vector.multi_reduction <maximumf>, %select_n3A_98, %reduce_max3A_103 [1] : vector<1024x1152xf32> to vector<1024xf32>
    %broadcast_in_dim3A_105 = vector.shape_cast %reduce_max3A_104 : vector<1024xf32> to vector<1024x1xf32>
    %eq3A_106 = vector.broadcast %broadcast_in_dim3A_105 : vector<1024x1xf32> to vector<1024x1152xf32>
    %eq3A_107 = arith.cmpf oeq, %select_n3A_98, %eq3A_106 : vector<1024x1152xf32>
    %jit3A_108 = arith.constant 0x7F800000 : f32
    %broadcast_in_dim3A_109 = vector.broadcast %jit3A_108 : f32 to vector<1024x1152xf32>
    %select_n3A_110 = arith.select %eq3A_107, %select_n3A_99, %broadcast_in_dim3A_109 : vector<1024x1152xi1>, vector<1024x1152xf32>
    %reduce_min3A_111 = arith.constant dense<0x7F800000> : vector<1024xf32>
    %reduce_min3A_112 = vector.multi_reduction <minimumf>, %select_n3A_110, %reduce_min3A_111 [1] : vector<1024x1152xf32> to vector<1024xf32>
    %broadcast_in_dim3A_113 = vector.shape_cast %reduce_min3A_112 : vector<1024xf32> to vector<1024x1xf32>
    %eq3A_114 = vector.broadcast %broadcast_in_dim3A_113 : vector<1024x1xf32> to vector<1024x1152xf32>
    %eq3A_115 = arith.cmpf oeq, %select_n3A_99, %eq3A_114 : vector<1024x1152xf32>
    %select_n3A_116 = arith.select %eq3A_115, %select_n3A_102, %select_n3A_98 : vector<1024x1152xi1>, vector<1024x1152xf32>
    %select_n3A_117 = arith.select %eq3A_115, %concatenate3A_50, %select_n3A_99 : vector<1024x1152xi1>, vector<1024x1152xf32>
    %reduce_max3A_118 = arith.constant dense<0xFF800000> : vector<1024xf32>
    %reduce_max3A_119 = vector.multi_reduction <maximumf>, %select_n3A_116, %reduce_max3A_118 [1] : vector<1024x1152xf32> to vector<1024xf32>
    %broadcast_in_dim3A_120 = vector.shape_cast %reduce_max3A_119 : vector<1024xf32> to vector<1024x1xf32>
    %eq3A_121 = vector.broadcast %broadcast_in_dim3A_120 : vector<1024x1xf32> to vector<1024x1152xf32>
    %eq3A_122 = arith.cmpf oeq, %select_n3A_116, %eq3A_121 : vector<1024x1152xf32>
    %jit3A_123 = arith.constant 0x7F800000 : f32
    %broadcast_in_dim3A_124 = vector.broadcast %jit3A_123 : f32 to vector<1024x1152xf32>
    %select_n3A_125 = arith.select %eq3A_122, %select_n3A_117, %broadcast_in_dim3A_124 : vector<1024x1152xi1>, vector<1024x1152xf32>
    %reduce_min3A_126 = arith.constant dense<0x7F800000> : vector<1024xf32>
    %reduce_min3A_127 = vector.multi_reduction <minimumf>, %select_n3A_125, %reduce_min3A_126 [1] : vector<1024x1152xf32> to vector<1024xf32>
    %broadcast_in_dim3A_128 = vector.shape_cast %reduce_min3A_127 : vector<1024xf32> to vector<1024x1xf32>
    %iota3A_129 = tpu.iota {dimensions = array<i32: 1>} : vector<1024x128xi32>
    %broadcast_in_dim3A_130 = arith.constant 0xFF800000 : f32
    %broadcast_in_dim3A_131 = vector.broadcast %broadcast_in_dim3A_130 : f32 to vector<1024x128xf32>
    %broadcast_in_dim3A_132 = arith.constant -1.000000e+00 : f32
    %broadcast_in_dim3A_133 = vector.broadcast %broadcast_in_dim3A_132 : f32 to vector<1024x128xf32>
    %eq3A_134 = arith.constant 0 : i32
    %eq3A_135 = vector.broadcast %eq3A_134 : i32 to vector<1024x128xi32>
    %eq3A_136 = arith.cmpi eq, %iota3A_129, %eq3A_135 : vector<1024x128xi32>
    %broadcast_in_dim3A_137 = vector.shape_cast %broadcast_in_dim3A_52 : vector<1024x1xf32> to vector<1024x1xf32>
    %broadcast_in_dim3A_138 = vector.broadcast %broadcast_in_dim3A_137 : vector<1024x1xf32> to vector<1024x128xf32>
    %select_n3A_139 = arith.select %eq3A_136, %broadcast_in_dim3A_138, %broadcast_in_dim3A_131 : vector<1024x128xi1>, vector<1024x128xf32>
    %eq3A_140 = arith.constant 0 : i32
    %eq3A_141 = vector.broadcast %eq3A_140 : i32 to vector<1024x128xi32>
    %eq3A_142 = arith.cmpi eq, %iota3A_129, %eq3A_141 : vector<1024x128xi32>
    %broadcast_in_dim3A_143 = vector.shape_cast %broadcast_in_dim3A_59 : vector<1024x1xf32> to vector<1024x1xf32>
    %broadcast_in_dim3A_144 = vector.broadcast %broadcast_in_dim3A_143 : vector<1024x1xf32> to vector<1024x128xf32>
    %select_n3A_145 = arith.select %eq3A_142, %broadcast_in_dim3A_144, %broadcast_in_dim3A_133 : vector<1024x128xi1>, vector<1024x128xf32>
    %eq3A_146 = arith.constant 1 : i32
    %eq3A_147 = vector.broadcast %eq3A_146 : i32 to vector<1024x128xi32>
    %eq3A_148 = arith.cmpi eq, %iota3A_129, %eq3A_147 : vector<1024x128xi32>
    %broadcast_in_dim3A_149 = vector.shape_cast %broadcast_in_dim3A_69 : vector<1024x1xf32> to vector<1024x1xf32>
    %broadcast_in_dim3A_150 = vector.broadcast %broadcast_in_dim3A_149 : vector<1024x1xf32> to vector<1024x128xf32>
    %select_n3A_151 = arith.select %eq3A_148, %broadcast_in_dim3A_150, %select_n3A_139 : vector<1024x128xi1>, vector<1024x128xf32>
    %eq3A_152 = arith.constant 1 : i32
    %eq3A_153 = vector.broadcast %eq3A_152 : i32 to vector<1024x128xi32>
    %eq3A_154 = arith.cmpi eq, %iota3A_129, %eq3A_153 : vector<1024x128xi32>
    %broadcast_in_dim3A_155 = vector.shape_cast %broadcast_in_dim3A_77 : vector<1024x1xf32> to vector<1024x1xf32>
    %broadcast_in_dim3A_156 = vector.broadcast %broadcast_in_dim3A_155 : vector<1024x1xf32> to vector<1024x128xf32>
    %select_n3A_157 = arith.select %eq3A_154, %broadcast_in_dim3A_156, %select_n3A_145 : vector<1024x128xi1>, vector<1024x128xf32>
    %eq3A_158 = arith.constant 2 : i32
    %eq3A_159 = vector.broadcast %eq3A_158 : i32 to vector<1024x128xi32>
    %eq3A_160 = arith.cmpi eq, %iota3A_129, %eq3A_159 : vector<1024x128xi32>
    %broadcast_in_dim3A_161 = vector.shape_cast %broadcast_in_dim3A_87 : vector<1024x1xf32> to vector<1024x1xf32>
    %broadcast_in_dim3A_162 = vector.broadcast %broadcast_in_dim3A_161 : vector<1024x1xf32> to vector<1024x128xf32>
    %select_n3A_163 = arith.select %eq3A_160, %broadcast_in_dim3A_162, %select_n3A_151 : vector<1024x128xi1>, vector<1024x128xf32>
    %eq3A_164 = arith.constant 2 : i32
    %eq3A_165 = vector.broadcast %eq3A_164 : i32 to vector<1024x128xi32>
    %eq3A_166 = arith.cmpi eq, %iota3A_129, %eq3A_165 : vector<1024x128xi32>
    %broadcast_in_dim3A_167 = vector.shape_cast %broadcast_in_dim3A_95 : vector<1024x1xf32> to vector<1024x1xf32>
    %broadcast_in_dim3A_168 = vector.broadcast %broadcast_in_dim3A_167 : vector<1024x1xf32> to vector<1024x128xf32>
    %select_n3A_169 = arith.select %eq3A_166, %broadcast_in_dim3A_168, %select_n3A_157 : vector<1024x128xi1>, vector<1024x128xf32>
    %eq3A_170 = arith.constant 3 : i32
    %eq3A_171 = vector.broadcast %eq3A_170 : i32 to vector<1024x128xi32>
    %eq3A_172 = arith.cmpi eq, %iota3A_129, %eq3A_171 : vector<1024x128xi32>
    %broadcast_in_dim3A_173 = vector.shape_cast %broadcast_in_dim3A_105 : vector<1024x1xf32> to vector<1024x1xf32>
    %broadcast_in_dim3A_174 = vector.broadcast %broadcast_in_dim3A_173 : vector<1024x1xf32> to vector<1024x128xf32>
    %select_n3A_175 = arith.select %eq3A_172, %broadcast_in_dim3A_174, %select_n3A_163 : vector<1024x128xi1>, vector<1024x128xf32>
    %eq3A_176 = arith.constant 3 : i32
    %eq3A_177 = vector.broadcast %eq3A_176 : i32 to vector<1024x128xi32>
    %eq3A_178 = arith.cmpi eq, %iota3A_129, %eq3A_177 : vector<1024x128xi32>
    %broadcast_in_dim3A_179 = vector.shape_cast %broadcast_in_dim3A_113 : vector<1024x1xf32> to vector<1024x1xf32>
    %broadcast_in_dim3A_180 = vector.broadcast %broadcast_in_dim3A_179 : vector<1024x1xf32> to vector<1024x128xf32>
    %select_n3A_181 = arith.select %eq3A_178, %broadcast_in_dim3A_180, %select_n3A_169 : vector<1024x128xi1>, vector<1024x128xf32>
    %eq3A_182 = arith.constant 4 : i32
    %eq3A_183 = vector.broadcast %eq3A_182 : i32 to vector<1024x128xi32>
    %eq3A_184 = arith.cmpi eq, %iota3A_129, %eq3A_183 : vector<1024x128xi32>
    %broadcast_in_dim3A_185 = vector.shape_cast %broadcast_in_dim3A_120 : vector<1024x1xf32> to vector<1024x1xf32>
    %broadcast_in_dim3A_186 = vector.broadcast %broadcast_in_dim3A_185 : vector<1024x1xf32> to vector<1024x128xf32>
    %select_n3A_187 = arith.select %eq3A_184, %broadcast_in_dim3A_186, %select_n3A_175 : vector<1024x128xi1>, vector<1024x128xf32>
    %eq3A_188 = arith.constant 4 : i32
    %eq3A_189 = vector.broadcast %eq3A_188 : i32 to vector<1024x128xi32>
    %eq3A_190 = arith.cmpi eq, %iota3A_129, %eq3A_189 : vector<1024x128xi32>
    %broadcast_in_dim3A_191 = vector.shape_cast %broadcast_in_dim3A_128 : vector<1024x1xf32> to vector<1024x1xf32>
    %broadcast_in_dim3A_192 = vector.broadcast %broadcast_in_dim3A_191 : vector<1024x1xf32> to vector<1024x128xf32>
    %select_n3A_193 = arith.select %eq3A_190, %broadcast_in_dim3A_192, %select_n3A_181 : vector<1024x128xi1>, vector<1024x128xf32>
    %swap3A = arith.constant 0 : index
    %swap3A_194 = arith.constant 0 : index
    %swap3A_195 = vector.load %arg4[%swap3A, %swap3A_194] : memref<1024x128xf32, #tpu.memory_space<vmem>>, vector<1024x128xf32>
    tpu.vector_store %arg4[%swap3A, %swap3A_194], %select_n3A_187 {strides = array<i32>} : memref<1024x128xf32, #tpu.memory_space<vmem>>, vector<1024x128xf32>,
    %swap3A_196 = arith.constant 0 : index
    %swap3A_197 = arith.constant 0 : index
    %swap3A_198 = vector.load %arg5[%swap3A_196, %swap3A_197] : memref<1024x128xf32, #tpu.memory_space<vmem>>, vector<1024x128xf32>
    tpu.vector_store %arg5[%swap3A_196, %swap3A_197], %select_n3A_193 {strides = array<i32>} : memref<1024x128xf32, #tpu.memory_space<vmem>>, vector<1024x128xf32>,
    %eq3A_199 = arith.constant 48 : i32
    %eq3A_200 = arith.cmpi eq, %arg0, %eq3A_199 : i32
    %convert_element_type3A_201 = arith.extui %eq3A_200 : i1 to i32
    %cond3A_202 = arith.constant 0 : i32
    %cond3A_203 = arith.cmpi ne, %convert_element_type3A_201, %cond3A_202 : i32
    scf.if %cond3A_203 {
      %convert_element_type3A_204 = arith.fptosi %select_n3A_193 : vector<1024x128xf32> to vector<1024x128xi32>
      %swap3A_205 = arith.constant 0 : index
      %swap3A_206 = arith.constant 0 : index
      %swap3A_207 = vector.load %arg3[%swap3A_205, %swap3A_206] : memref<1024x128xi32, #tpu.memory_space<vmem>>, vector<1024x128xi32>
      tpu.vector_store %arg3[%swap3A_205, %swap3A_206], %convert_element_type3A_204 {strides = array<i32>} : memref<1024x128xi32, #tpu.memory_space<vmem>>, vector<1024x128xi32>,
    } else {
    }
    return
  }
  func.func @transform_0(%arg0: i32) -> (i32, i32) {
    %c0_i32 = arith.constant 0 : i32
    %c0_i32_0 = arith.constant 0 : i32
    %c0_i32_1 = arith.constant 0 : i32
    return %c0_i32, %c0_i32_0 : i32, i32
  }
  func.func @transform_1(%arg0: i32) -> (i32, i32) {
    %c0_i32 = arith.constant 0 : i32
    %c0_i32_0 = arith.constant 0 : i32
    return %arg0, %c0_i32 : i32, i32
  }
  func.func @transform_2(%arg0: i32) -> (i32, i32) {
    %c0_i32 = arith.constant 0 : i32
    %c0_i32_0 = arith.constant 0 : i32
    %c0_i32_1 = arith.constant 0 : i32
    return %c0_i32, %c0_i32_0 : i32, i32
  }
}

</mosaic_0001>

<sc_bundles>
// kernel: kernel.4.cloned.1.call-start
scs
__scs_entry_jumppad:
0x0: {  	(pc) =	sbr.rel $0x88, $3  }
0x1: {  	(tag) =	ssettag $0x0;
	lr =	simm.s32 $0x1  }
0x2: {  	[smem:$0x3F9E] =	sst lr;
	_ =	strace $0xD0000000  }
0x3: {  	_ = 	snop  }
0x4: {  	_ = 	snop  }
0x5: {  	_ = 	snop  }
0x6: {  	_ = 	snop  }
0x7: {  	_ = 	snop  }
__scs_overlays_trampoline_lowered:
0x8: {  	[smem:$0x3FAD] =	sst s0  }
0x9: {  	[smem:$0x3FAE] =	sst s1  }
0xa: {  	[smem:$0x3FAF] =	sst s2  }
0xb: {  	[smem:$0x3FB0] =	sst s3  }
0xc: {  	[smem:$0x3FB1] =	sst s4  }
0xd: {  	[smem:$0x3FB2] =	sst s5  }
0xe: {  	[smem:$0x3FB3] =	sst s6  }
0xf: {  	[smem:$0x3FB4] =	sst s7  }
0x10: {  	[smem:$0x3FB5] =	sst s8  }
0x11: {  	[smem:$0x3FB6] =	sst s9;
	s0 =	simm.s32 @!p0 $0x0  }
0x12: {  	s1 =	sld [smem:$0x3F9C];
	s0 =	simm.s32 @p0 $0x1  }
0x13: {  	[smem:$0x3FB7] =	sst s0;
	s0 =	simm.s32 @!p1 $0x0  }
0x14: {  	s2 =	sld [smem:$0x3F9B];
	s0 =	simm.s32 @p1 $0x1  }
0x15: {  	[smem:$0x3FB8] =	sst s0;
	s0 =	simm.s32 @!p2 $0x0  }
0x16: {  	s3 =	sld [smem:$0x3FDB];
	s0 =	simm.s32 @p2 $0x1  }
0x17: {  	s4 =	simm.s32 $0x1BF5;
	[smem:$0x3FBA] =	sst s0  }
0x18: {  	s0 =	sld [smem:$0x3F9D];
	_ =	swait.ge [sflag:s4], $0x0  }
0x19: {  	s7 =	sld [smem:$0x3F9E]  }
0x1a: {  	s8 =	sadd.s32 $0xFFFFE003, lr  }
0x1b: {  	s9 =	sadd.s32 $0xFFFFFEF7, lr;
	s5 =	simm.s32 $0xFFFFFFFF;
	p2 =	slt.u32 s8, $0xFFFFF086  }
0x1c: {  	p1 =	slt.u32 s9, $0xF7A;
	s5 =	simm.s32 @!p2 $0x0  }
0x1d: {  	s5 =	simm.s32 @p1 $0x1;
	p0 =	seq.s32 s7, s2  }
0x1e: {  	s7 =	smul.u32 @!p0 $0xF7A, s2;
	p2 =	seq.s32 @!p0 s5, $0x0  }
0x1f: {  	s9 =	smul.u32 $0xF7A, s1;
	s8 =	simm.s32 @!p0 $0x1BF5;
	p2 =	por !p2, p0  }
0x20: {  	[sflag:s8] =	ssyncset.s32 @!p0 $0xFFFFF086;
	s6 =	sadd.s32 @!p0 s3, s7;
	s7 =	simm.s32 @!p0 $0x108  }
0x21: {  	s3 =	sadd.s32 s3, s9;
	s6 =	sadd.s32 @!p0 $0x88, s6;
	s7 =	simm.s32 @p2 $0x1082  }
0x22: {  	[simem:s7], [sflag:s8] =	dma.local @!p0 [hbm:s6], $0xF7A  }
0x23: {  	s9 =	sor.u32 $0xD0000000, s2;
	s6 =	simm.s32 $0x108;
	_ =	swait.ge @!p0 [sflag:s8], $0x0  }
0x24: {  	s3 =	sadd.s32 $0x88, s3;
	s6 =	simm.s32 @!p1 $0x1082;
	[sflag:s4] =	ssyncset.s32 $0xFFFFF086  }
0x25: {  	[simem:s6], [sflag:s4] =	dma.local [hbm:s3], $0xF7A  }
0x26: {  	[smem:$0x3F9E] =	sst s1;
	(tag) =	ssettag s2;
	_ =	strace s9  }
0x27: {  	s1 =	sld [smem:$0x3FAE]  }
0x28: {  	s2 =	sld [smem:$0x3FAF]  }
0x29: {  	s4 =	sld [smem:$0x3FB1]  }
0x2a: {  	p0 =	seq.s32 s5, $0x0;
	s5 =	sld [smem:$0x3FB2]  }
0x2b: {  	s6 =	sld [smem:$0x3FB3]  }
0x2c: {  	s7 =	sld [smem:$0x3FB4]  }
0x2d: {  	s3 =	simm.s32 $0x108;
	s8 =	sld [smem:$0x3FB5]  }
0x2e: {  	s3 =	simm.s32 @!p0 $0x1082;
	s9 =	sld [smem:$0x3FB6]  }
0x2f: {  	lr =	sadd.s32 s0, s3;
	s0 =	sld [smem:$0x3FAD]  }
0x30: {  	s3 =	sld [smem:$0x3FB0]  }
0x31: {  	[smem:$0x3FB9] =	sst s10  }
0x32: {  	s10 =	sld [smem:$0x3FB7];
	_ =	sdelay $0x3  }
0x33: {  	p0 =	seq.s32 s10, $0x1;
	s10 =	sld [smem:$0x3FB9];
	_ =	sdelay $0x3  }
0x34: {  	[smem:$0x3FB9] =	sst s10  }
0x35: {  	s10 =	sld [smem:$0x3FB8];
	_ =	sdelay $0x3  }
0x36: {  	p1 =	seq.s32 s10, $0x1;
	s10 =	sld [smem:$0x3FB9];
	_ =	sdelay $0x3  }
0x37: {  	[smem:$0x3FB9] =	sst s10  }
0x38: {  	s10 =	sld [smem:$0x3FBA]  }
0x39: {  	_ = 	snop;
	(pc) =	sbr.ind lr, $3  }
0x3a: {  	_ = 	snop  }
0x3b: {  	_ = 	snop  }
0x3c: {  	p2 =	seq.s32 s10, $0x1;
	s10 =	sld [smem:$0x3FB9]  }
0x3d: {  	_ =	shalt  }
0x3e: {  	_ =	shalt  }
0x3f: {  	_ =	shalt  }
0x40: {  	_ =	shalt  }
0x41: {  	_ =	shalt  }
0x42: {  	_ =	shalt  }
0x43: {  	_ =	shalt  }
0x44: {  	_ =	shalt  }
0x45: {  	_ =	shalt  }
0x46: {  	_ =	shalt  }
0x47: {  	_ =	shalt  }
0x48: {  	_ =	shalt  }
0x49: {  	_ =	shalt  }
0x4a: {  	_ =	shalt  }
0x4b: {  	_ =	shalt  }
0x4c: {  	_ =	shalt  }
0x4d: {  	_ =	shalt  }
0x4e: {  	_ =	shalt  }
0x4f: {  	_ =	shalt  }
0x50: {  	_ =	shalt  }
0x51: {  	_ =	shalt  }
0x52: {  	_ =	shalt  }
0x53: {  	_ =	shalt  }
0x54: {  	_ =	shalt  }
0x55: {  	_ =	shalt  }
0x56: {  	_ =	shalt  }
0x57: {  	_ =	shalt  }
0x58: {  	_ =	shalt  }
0x59: {  	_ =	shalt  }
0x5a: {  	_ =	shalt  }
0x5b: {  	_ =	shalt  }
0x5c: {  	_ =	shalt  }
0x5d: {  	_ =	shalt  }
0x5e: {  	_ =	shalt  }
0x5f: {  	_ =	shalt  }
0x60: {  	_ =	shalt  }
0x61: {  	_ =	shalt  }
0x62: {  	_ =	shalt  }
0x63: {  	_ =	shalt  }
0x64: {  	_ =	shalt  }
0x65: {  	_ =	shalt  }
0x66: {  	_ =	shalt  }
0x67: {  	_ =	shalt  }
0x68: {  	_ =	shalt  }
0x69: {  	_ =	shalt  }
0x6a: {  	_ =	shalt  }
0x6b: {  	_ =	shalt  }
0x6c: {  	_ =	shalt  }
0x6d: {  	_ =	shalt  }
0x6e: {  	_ =	shalt  }
0x6f: {  	_ =	shalt  }
0x70: {  	_ =	shalt  }
0x71: {  	_ =	shalt  }
0x72: {  	_ =	shalt  }
0x73: {  	_ =	shalt  }
0x74: {  	_ =	shalt  }
0x75: {  	_ =	shalt  }
0x76: {  	_ =	shalt  }
0x77: {  	_ =	shalt  }
0x78: {  	_ =	shalt  }
0x79: {  	_ =	shalt  }
0x7a: {  	_ =	shalt  }
0x7b: {  	_ =	shalt  }
0x7c: {  	_ =	shalt  }
0x7d: {  	_ =	shalt  }
0x7e: {  	_ =	shalt  }
0x7f: {  	_ =	shalt  }
0x80: {  	_ =	shalt  }
0x81: {  	_ =	shalt  }
0x82: {  	_ =	shalt  }
0x83: {  	_ =	shalt  }
0x84: {  	_ =	shalt  }
0x85: {  	_ =	shalt  }
0x86: {  	_ =	shalt  }
0x87: {  	_ =	shalt  }
.Lfunc_end0:
.L_simem_size_0:
called_computation_lowered:
.L_overlay_start_0:
0x88: {  	s2 =	sld [smem:$0x3FD9]  }
0x89: {  	s3 =	sld [smem:$0x3FFE];
	_ =	sdelay $0x1  }
0x8a: {  	s1 =	srdreg.scid  }
0x8b: {  	s0 =	sand.u32 $0x1, s1  }
0x8c: {  	s17 =	sshll.u32 s0, $0xA;
	s2 =	sadd.s32 s3, s2  }
0x8d: {  	s2 =	sadd.s32 s2, s17  }
0x8e: {  	[smem:$0x3FC5] =	sst s2  }
0x8f: {  	_ = 	snop  }
0x90: {  	s2 =	sld [smem:$0x3FC8]  }
0x91: {  	s18 =	sld [smem:$0x3FD0];
	(tm) =	ssettm $0x1  }
0x92: {  	s4 =	sld [smem:$0x3FFB];
	_ =	sdelay $0x3  }
0x93: {  	_ =	strace s4  }
0x94: {  	s4 =	sld [smem:$0x3FFC];
	_ =	sdelay $0x3  }
0x95: {  	_ =	strace s4  }
0x96: {  	s4 =	sld [smem:$0x3FFD];
	_ =	sdelay $0x3  }
0x97: {  	_ =	strace s4  }
0x98: {  	_ =	strace $0x8FFFFFFF  }
0x99: {  	s19 =	sld [smem:$0x3FDB];
	_ =	sdelay $0x1  }
0x9a: {  	s5 =	simm.s32 $_scs_section_size  }
0x9b: {  	s6 =	simm.s32 $_size__tile_overlayer_lowered;
	s7 =	simm.s32 $_tile_overlayer_lowered  }
0x9c: {  	s22 =	simm.s32 $0x1BFF;
	s21 =	sshll.u32 s7, $0x1;
	s4 =	sadd.s32 s5, s19  }
0x9d: {  	s8 =	simm.s32 $0x0;
	s20 =	sshll.u32 s6, $0x1;
	s6 =	sadd.s32 s21, s4  }
0x9e: {  	[timem:s8], [sflag:s22] =	dma.local [hbm:s6], s20  }
0x9f: {  	_ =	swait.ge [sflag:s22], s20  }
0xa0: {  	s5 =	ssub.s32 $0x0, s20;
	[sflag:s22] =	ssyncset.done $0x0  }
0xa1: {  	[sflag:s22] =	ssyncadd.s32 s5;
	_ =	sdelay $0x1  }
0xa2: {  	s23 =	simm.s32 $0x1B8B  }
0xa3: {  	_ =	swait.ge [sflag:s23], $0x1  }
0xa4: {  	[sflag:s23] =	ssyncset.done $0x0  }
0xa5: {  	s25 =	simm.s32 $0x1B8E;
	s24 =	sld [smem:$0x3FFE];
	[sflag:s23] =	ssyncadd.s32 $0xFFFFFFFF  }
0xa6: {  	s26 =	simm.s32 $execute0_lowered;
	[smem:$0x3FD2] =	sst s25  }
0xa7: {  	s6 =	sshll.u32 s26, $0x1;
	_ =	strace $0x80000046;
	[dreg:$0x1] =	wrdreg $0xFFFFFFFF  }
0xa8: {  	s28 =	simm.s32 $_size_execute0_lowered;
	s4 =	sadd.s32 s4, s6;
	[dreg:$0x0] =	wrdreg $0x0  }
0xa9: {  	s6 =	sshll.u32 s28, $0x1;
	[dreg:$0x2] =	wrdreg s4  }
0xaa: {  	[dreg:$0x3] =	wrdreg s6  }
0xab: {  	[dreg:$0x4] =	wrdreg $0xC0  }
0xac: {  	_ =	task [dreg:s8], $0x5FFFF  }
0xad: {  	[dreg:$0x1] =	wrdreg $0xFFFFFFFF  }
0xae: {  	[dreg:$0x0] =	wrdreg $0x60  }
0xaf: {  	[dreg:$0x2] =	wrdreg s2  }
0xb0: {  	[dreg:$0x3] =	wrdreg s24  }
0xb1: {  	[dreg:$0x4] =	wrdreg s18  }
0xb2: {  	[dreg:$0x5] =	wrdreg $0x9  }
0xb3: {  	_ =	task.clear_ibuf [dreg:s8], $0x6FFFF;
	_ =	strace $0x90000046  }
0xb4: {  	s29 =	simm.s32 $0x9;
	_ =	strace $0x80000048  }
0xb5: {  	_ =	swait.ge [sflag:s29], $0x1  }
0xb6: {  	[sflag:s29] =	ssyncadd.s32 $0xFFFFFFFF  }
0xb7: {  	_ =	strace $0x90000048  }
0xb8: {  	_ =	sfence  }
0xb9: {  	s30 =	sld [smem:$0x0];
	_ =	sdelay $0x2  }
0xba: {  	s31 =	sshll.u32 s1, $0xD;
	s1 =	sshrl.u32 s1, $0x2  }
0xbb: {  	s3 =	sand.u32 $0x4000, s31;
	s1 =	sadd.s32 s1, s30  }
0xbc: {  	s0 =	sor.u32 s3, s0;
	s1 =	sshll.u32 s1, $0x11  }
0xbd: {  	s0 =	sor.u32 s1, s0  }
0xbe: {  	s0 =	sadd.s32 $0x8F2B, s0  }
0xbf: {  	[sflag:s0] =	ssyncadd.remote.s32 $0x1  }
0xc0: {  	_ =	sfence.sel $0xFFFF  }
0xc1: {  	[dreg:$0x0] =	wrdreg $0xFFFFFFFF;
	(pc) =	sbr.abs _section_cstart, $3  }
0xc2: {  	[dreg:$0x1] =	wrdreg $0xFFFFFFFF  }
0xc3: {  	_ =	task.clear_ibuf [dreg:s8], $0x2FFFF;
	_ =	strace $0x9FFFFFFF  }
0xc4: {  	(tm) =	ssettm $0x7FFFFFFF  }
0xc5: {  	_ =	shalt  }
tec
execute0_lowered:
.L_overlay_start_1:
0x0: {  	(tag) =	ssettag $0x1  }
0x1: {  	s1 =	rddreg [dreg:$0x0]  }
0x2: {  	s2 =	srdreg.scid;
	s4 =	rddreg [dreg:$0x1]  }
0x3: {  	s0 =	stileid.u32;
	s6 =	rddreg [dreg:$0x2];
	s3 =	simm.s32 $0x0  }
0x4: {  	s10 =	simm.s32 $0x50;
	s11 =	simm.s32 $0x100;
	s12 =	simm.s32 $0x2900  }
0x5: {  	s13 =	simm.s32 $0x1;
	s14 =	simm.s32 $0x5100;
	s15 =	simm.s32 $0x0  }
0x6: {  	s5 =	sand.u32 $0x1, s2;
	s31 =	sshll.u32 s0, $0x1;
	s2 =	rddreg [dreg:$0x3]  }
0x7: {  	[smem:$0x7FF] =	sst s3;
	s7 =	sor.u32 s5, s31;
	s5 =	ssub.s32 $0x2, s5  }
0x8: {  	s8 =	smul.u32 $0x14, s7;
	s9 =	sshrl.u32 s5, $0x1;
	s7 =	sshll.u32 s7, $0x9  }
0x9: {  	_ =	strace $0x80000047;
	s9 =	ssub.s32 s5, s9;
	s6 =	sadd.s32 s6, s7  }
0xa: {  	s8 =	sadd.s32 s8, s4;
	s4 =	sadd.s32 $0xA00, s4;
	s7 =	smax.u32 s9, $0x1  }
0xb: {  	s9 =	simm.s32 $0x6100;
	s5 =	sadd.s32 $0x600, s8;
	s8 =	simm.s32 $0x2  }
.LBB2_1:
0xc: {  	[tilespmem:s3], [sflag:$0x2] =	stream.linear.gather [hbm4b:s5+s3], $0xA0, $0x38;
	[tilespmem:$0x6180] =	vst v63  }
0xd: {  	_ =	swait.ge [sflag:s8], $0xA0  }
0xe: {  	[sflag:s8] =	ssyncset.done $0x0  }
0xf: {  	[sflag:s8] =	ssyncadd.s32 $0xFFFFFF60  }
0x10: {  	[tilespmem:s9], [sflag:$0x2] =	stream.linear.gather [hbm4b:s4+s3], $0x80, $0x38;
	[tilespmem:$0x6180] =	vst v63  }
0x11: {  	_ =	swait.ge [sflag:s8], $0x80  }
0x12: {  	[sflag:s8] =	ssyncset.done $0x0  }
0x13: {  	[sflag:s8] =	ssyncadd.s32 $0xFFFFFF80  }
0x14: {  	[tilespmem:s11], [sflag:$0x1] =	stream.indirect.gather [hbm4b:s1+s10], $0x80, s3, s10, $0xb8;
	[tilespmem:$0x6180] =	vst v63  }
0x15: {  	_ = 	snop  }
0x16: {  	[tilespmem:s12], [sflag:$0x1] =	stream.indirect.gather [hbm4b:s1+s10], $0x80, s10, s10, $0xb8;
	[tilespmem:$0x6180] =	vst v63  }
0x17: {  	_ =	swait.ge [sflag:s13], $0x2800  }
0x18: {  	[sflag:s13] =	ssyncset.done $0x0  }
0x19: {  	[sflag:s13] =	ssyncadd.s32 $0xFFFFD800  }
0x1a: {  	_ =	swait.ge [sflag:s13], $0x2800  }
0x1b: {  	[sflag:s13] =	ssyncset.done $0x0  }
0x1c: {  	s16 =	simm.s32 $0x240;
	[sflag:s13] =	ssyncadd.s32 $0xFFFFD800  }
0x1d: {  	v0 =	vld [tilespmem:s16+$0xFFFFFF40]  }
0x1e: {  	v1 =	vld [tilespmem:s16+$0xFFFFFEC0];
	_ =	sdelay $0x1  }
0x1f: {  	v2 =	vld [tilespmem:s16+$0xFFFFFFC0];
	_ =	sdelay $0x1  }
0x20: {  	v3 =	vld [tilespmem:s16+$0x40]  }
0x21: {  	v0 =	vadd.f32 v0, v1  }
0x22: {  	v1 =	vld [tilespmem:s16+$0xC0]  }
0x23: {  	v2 =	vadd.f32 v2, v0  }
0x24: {  	v0 =	vld [tilespmem:$0x6100]  }
0x25: {  	v2 =	vadd.f32 v3, v2;
	_ =	sdelay $0x1  }
0x26: {  	v1 =	vadd.f32 v1, v2;
	_ =	sdelay $0x1  }
0x27: {  	v1 =	vmul.f32 v1, v0  }
0x28: {  	s17 =	simm.s32 $0x0  }
0x29: {  	[tilespmem:s17+$0x5100] =	vst v1  }
0x2a: {  	v1 =	vld [tilespmem:s16+$0xFFFFFED0]  }
0x2b: {  	v2 =	vld [tilespmem:s16+$0xFFFFFF50];
	_ =	sdelay $0x1  }
0x2c: {  	v3 =	vld [tilespmem:s16+$0xFFFFFFD0];
	_ =	sdelay $0x1  }
0x2d: {  	v4 =	vld [tilespmem:s16+$0x50]  }
0x2e: {  	v1 =	vadd.f32 v2, v1  }
0x2f: {  	v2 =	vld [tilespmem:s16+$0xD0]  }
0x30: {  	v1 =	vadd.f32 v3, v1;
	_ =	sdelay $0x1  }
0x31: {  	v1 =	vadd.f32 v4, v1;
	_ =	sdelay $0x1  }
0x32: {  	v1 =	vadd.f32 v2, v1;
	_ =	sdelay $0x1  }
0x33: {  	v1 =	vmul.f32 v1, v0;
	_ =	sdelay $0x1  }
0x34: {  	[tilespmem:s17+$0x5110] =	vst v1  }
0x35: {  	v1 =	vld [tilespmem:s16+$0xFFFFFEE0]  }
0x36: {  	v2 =	vld [tilespmem:s16+$0xFFFFFF60];
	_ =	sdelay $0x1  }
0x37: {  	v3 =	vld [tilespmem:s16+$0xFFFFFFE0];
	_ =	sdelay $0x1  }
0x38: {  	v4 =	vld [tilespmem:s16+$0x60]  }
0x39: {  	v1 =	vadd.f32 v2, v1  }
0x3a: {  	v2 =	vld [tilespmem:s16+$0xE0]  }
0x3b: {  	v1 =	vadd.f32 v3, v1;
	_ =	sdelay $0x1  }
0x3c: {  	v1 =	vadd.f32 v4, v1;
	_ =	sdelay $0x1  }
0x3d: {  	v1 =	vadd.f32 v2, v1;
	_ =	sdelay $0x1  }
0x3e: {  	v1 =	vmul.f32 v1, v0;
	_ =	sdelay $0x1  }
0x3f: {  	[tilespmem:s17+$0x5120] =	vst v1  }
0x40: {  	v1 =	vld [tilespmem:s16+$0xFFFFFEF0]  }
0x41: {  	v2 =	vld [tilespmem:s16+$0xFFFFFF70];
	_ =	sdelay $0x1  }
0x42: {  	v3 =	vld [tilespmem:s16+$0xFFFFFFF0];
	_ =	sdelay $0x1  }
0x43: {  	v4 =	vld [tilespmem:s16+$0x70]  }
0x44: {  	v1 =	vadd.f32 v2, v1  }
0x45: {  	v2 =	vld [tilespmem:s16+$0xF0]  }
0x46: {  	v1 =	vadd.f32 v3, v1;
	_ =	sdelay $0x1  }
0x47: {  	v1 =	vadd.f32 v4, v1;
	_ =	sdelay $0x1  }
0x48: {  	v1 =	vadd.f32 v2, v1;
	_ =	sdelay $0x1  }
0x49: {  	v1 =	vmul.f32 v1, v0;
	_ =	sdelay $0x1  }
0x4a: {  	[tilespmem:s17+$0x5130] =	vst v1  }
0x4b: {  	v1 =	vld [tilespmem:s16+$0xFFFFFF00]  }
0x4c: {  	v2 =	vld [tilespmem:s16+$0xFFFFFF80];
	_ =	sdelay $0x1  }
0x4d: {  	v3 =	vld [tilespmem:s16+$0x0];
	_ =	sdelay $0x1  }
0x4e: {  	v4 =	vld [tilespmem:s16+$0x80]  }
0x4f: {  	v1 =	vadd.f32 v2, v1  }
0x50: {  	v2 =	vld [tilespmem:s16+$0x100]  }
0x51: {  	v1 =	vadd.f32 v3, v1;
	_ =	sdelay $0x1  }
0x52: {  	v1 =	vadd.f32 v4, v1;
	_ =	sdelay $0x1  }
0x53: {  	v1 =	vadd.f32 v2, v1;
	_ =	sdelay $0x1  }
0x54: {  	v1 =	vmul.f32 v1, v0;
	_ =	sdelay $0x1  }
0x55: {  	[tilespmem:s17+$0x5140] =	vst v1  }
0x56: {  	v1 =	vld [tilespmem:s16+$0xFFFFFF10]  }
0x57: {  	v2 =	vld [tilespmem:s16+$0xFFFFFF90];
	_ =	sdelay $0x1  }
0x58: {  	v3 =	vld [tilespmem:s16+$0x10];
	_ =	sdelay $0x1  }
0x59: {  	v4 =	vld [tilespmem:s16+$0x90]  }
0x5a: {  	v1 =	vadd.f32 v2, v1  }
0x5b: {  	v2 =	vld [tilespmem:s16+$0x110]  }
0x5c: {  	v1 =	vadd.f32 v3, v1;
	_ =	sdelay $0x1  }
0x5d: {  	v1 =	vadd.f32 v4, v1;
	_ =	sdelay $0x1  }
0x5e: {  	v1 =	vadd.f32 v2, v1;
	_ =	sdelay $0x1  }
0x5f: {  	v1 =	vmul.f32 v1, v0;
	_ =	sdelay $0x1  }
0x60: {  	[tilespmem:s17+$0x5150] =	vst v1  }
0x61: {  	v1 =	vld [tilespmem:s16+$0xFFFFFF20]  }
0x62: {  	v2 =	vld [tilespmem:s16+$0xFFFFFFA0];
	_ =	sdelay $0x1  }
0x63: {  	v3 =	vld [tilespmem:s16+$0x20];
	_ =	sdelay $0x1  }
0x64: {  	v4 =	vld [tilespmem:s16+$0xA0]  }
0x65: {  	v1 =	vadd.f32 v2, v1  }
0x66: {  	v2 =	vld [tilespmem:s16+$0x120]  }
0x67: {  	v1 =	vadd.f32 v3, v1;
	_ =	sdelay $0x1  }
0x68: {  	v1 =	vadd.f32 v4, v1;
	_ =	sdelay $0x1  }
0x69: {  	v1 =	vadd.f32 v2, v1;
	_ =	sdelay $0x1  }
0x6a: {  	v1 =	vmul.f32 v1, v0;
	_ =	sdelay $0x1  }
0x6b: {  	[tilespmem:s17+$0x5160] =	vst v1  }
0x6c: {  	v4 =	vld [tilespmem:s16+$0xFFFFFF30]  }
0x6d: {  	v5 =	vld [tilespmem:s16+$0xFFFFFFB0];
	_ =	sdelay $0x1  }
0x6e: {  	v3 =	vld [tilespmem:s16+$0x30];
	_ =	sdelay $0x1  }
0x6f: {  	v1 =	vld [tilespmem:s16+$0xB0]  }
0x70: {  	s18 =	simm.s32 $0x200;
	v2 =	vld [tilespmem:s16+$0x130];
	v4 =	vadd.f32 v5, v4  }
.LBB2_2:
0x71: {  	p0 =	sne.s32 s18, $0x3E00  }
0x72: {  	s16 =	sadd.s32 $0x280, s16;
	s19 =	smov.u32 s18;
	s18 =	sadd.s32 $0x200, s18;
	v3 =	vadd.f32 v3, v4  }
0x73: {  	_ = 	snop  }
0x74: {  	v1 =	vadd.f32 v1, v3;
	_ =	sdelay $0x1  }
0x75: {  	v1 =	vadd.f32 v2, v1;
	_ =	sdelay $0x1  }
0x76: {  	v1 =	vmul.f32 v1, v0;
	_ =	sdelay $0x1  }
0x77: {  	[tilespmem:s17+$0x5170] =	vst v1  }
0x78: {  	v1 =	vld [tilespmem:s16+$0xFFFFFF40]  }
0x79: {  	v2 =	vld [tilespmem:s16+$0xFFFFFEC0]  }
0x7a: {  	v3 =	vld [tilespmem:s16+$0xFFFFFFC0];
	_ =	sdelay $0x2  }
0x7b: {  	v4 =	vld [tilespmem:s16+$0x40]  }
0x7c: {  	v1 =	vadd.f32 v1, v2  }
0x7d: {  	v2 =	vld [tilespmem:s16+$0xC0]  }
0x7e: {  	v1 =	vadd.f32 v3, v1;
	_ =	sdelay $0x1  }
0x7f: {  	v1 =	vadd.f32 v4, v1;
	_ =	sdelay $0x1  }
0x80: {  	v1 =	vadd.f32 v2, v1;
	_ =	sdelay $0x1  }
0x81: {  	v1 =	vmul.f32 v1, v0  }
0x82: {  	s17 =	sshra.s32 s19, $0x2  }
0x83: {  	[tilespmem:s17+$0x5100] =	vst v1  }
0x84: {  	v1 =	vld [tilespmem:s16+$0xFFFFFED0]  }
0x85: {  	v2 =	vld [tilespmem:s16+$0xFFFFFF50];
	_ =	sdelay $0x1  }
0x86: {  	v3 =	vld [tilespmem:s16+$0xFFFFFFD0];
	_ =	sdelay $0x1  }
0x87: {  	v4 =	vld [tilespmem:s16+$0x50]  }
0x88: {  	v1 =	vadd.f32 v2, v1  }
0x89: {  	v2 =	vld [tilespmem:s16+$0xD0]  }
0x8a: {  	v1 =	vadd.f32 v3, v1;
	_ =	sdelay $0x1  }
0x8b: {  	v1 =	vadd.f32 v4, v1;
	_ =	sdelay $0x1  }
0x8c: {  	v1 =	vadd.f32 v2, v1;
	_ =	sdelay $0x1  }
0x8d: {  	v1 =	vmul.f32 v1, v0;
	_ =	sdelay $0x1  }
0x8e: {  	[tilespmem:s17+$0x5110] =	vst v1  }
0x8f: {  	v1 =	vld [tilespmem:s16+$0xFFFFFEE0]  }
0x90: {  	v2 =	vld [tilespmem:s16+$0xFFFFFF60];
	_ =	sdelay $0x1  }
0x91: {  	v3 =	vld [tilespmem:s16+$0xFFFFFFE0];
	_ =	sdelay $0x1  }
0x92: {  	v4 =	vld [tilespmem:s16+$0x60]  }
0x93: {  	v1 =	vadd.f32 v2, v1  }
0x94: {  	v2 =	vld [tilespmem:s16+$0xE0]  }
0x95: {  	v1 =	vadd.f32 v3, v1;
	_ =	sdelay $0x1  }
0x96: {  	v1 =	vadd.f32 v4, v1;
	_ =	sdelay $0x1  }
0x97: {  	v1 =	vadd.f32 v2, v1;
	_ =	sdelay $0x1  }
0x98: {  	v1 =	vmul.f32 v1, v0;
	_ =	sdelay $0x1  }
0x99: {  	[tilespmem:s17+$0x5120] =	vst v1  }
0x9a: {  	v1 =	vld [tilespmem:s16+$0xFFFFFEF0]  }
0x9b: {  	v2 =	vld [tilespmem:s16+$0xFFFFFF70]  }
0x9c: {  	v3 =	vld [tilespmem:s16+$0xFFFFFFF0];
	_ =	sdelay $0x2  }
0x9d: {  	v4 =	vld [tilespmem:s16+$0x70]  }
0x9e: {  	v1 =	vadd.f32 v2, v1  }
0x9f: {  	v2 =	vld [tilespmem:s16+$0xF0]  }
0xa0: {  	v1 =	vadd.f32 v3, v1;
	_ =	sdelay $0x1  }
0xa1: {  	v1 =	vadd.f32 v4, v1;
	_ =	sdelay $0x1  }
0xa2: {  	v1 =	vadd.f32 v2, v1;
	_ =	sdelay $0x1  }
0xa3: {  	v1 =	vmul.f32 v1, v0;
	_ =	sdelay $0x1  }
0xa4: {  	[tilespmem:s17+$0x5130] =	vst v1  }
0xa5: {  	v1 =	vld [tilespmem:s16+$0xFFFFFF00]  }
0xa6: {  	v2 =	vld [tilespmem:s16+$0xFFFFFF80]  }
0xa7: {  	v3 =	vld [tilespmem:s16+$0x0];
	_ =	sdelay $0x2  }
0xa8: {  	v4 =	vld [tilespmem:s16+$0x80]  }
0xa9: {  	v1 =	vadd.f32 v2, v1  }
0xaa: {  	v2 =	vld [tilespmem:s16+$0x100]  }
0xab: {  	v1 =	vadd.f32 v3, v1;
	_ =	sdelay $0x1  }
0xac: {  	v1 =	vadd.f32 v4, v1;
	_ =	sdelay $0x1  }
0xad: {  	v1 =	vadd.f32 v2, v1;
	_ =	sdelay $0x1  }
0xae: {  	v1 =	vmul.f32 v1, v0;
	_ =	sdelay $0x1  }
0xaf: {  	[tilespmem:s17+$0x5140] =	vst v1  }
0xb0: {  	v1 =	vld [tilespmem:s16+$0xFFFFFF10]  }
0xb1: {  	v2 =	vld [tilespmem:s16+$0xFFFFFF90]  }
0xb2: {  	v3 =	vld [tilespmem:s16+$0x10]  }
0xb3: {  	v4 =	vld [tilespmem:s16+$0x90]  }
0xb4: {  	v5 =	vld [tilespmem:s16+$0x110];
	_ =	sdelay $0x1  }
0xb5: {  	v1 =	vadd.f32 v2, v1;
	_ =	sdelay $0x1  }
0xb6: {  	v1 =	vadd.f32 v3, v1;
	_ =	sdelay $0x1  }
0xb7: {  	v1 =	vadd.f32 v4, v1;
	_ =	sdelay $0x1  }
0xb8: {  	v1 =	vadd.f32 v5, v1;
	_ =	sdelay $0x1  }
0xb9: {  	v1 =	vmul.f32 v1, v0;
	_ =	sdelay $0x1  }
0xba: {  	[tilespmem:s17+$0x5150] =	vst v1  }
0xbb: {  	v1 =	vld [tilespmem:s16+$0xFFFFFF20]  }
0xbc: {  	v2 =	vld [tilespmem:s16+$0xFFFFFFA0]  }
0xbd: {  	v3 =	vld [tilespmem:s16+$0x20]  }
0xbe: {  	v4 =	vld [tilespmem:s16+$0xA0]  }
0xbf: {  	v5 =	vld [tilespmem:s16+$0x120];
	_ =	sdelay $0x1  }
0xc0: {  	v1 =	vadd.f32 v2, v1;
	_ =	sdelay $0x1  }
0xc1: {  	v1 =	vadd.f32 v3, v1;
	_ =	sdelay $0x1  }
0xc2: {  	v1 =	vadd.f32 v4, v1;
	_ =	sdelay $0x1  }
0xc3: {  	v1 =	vadd.f32 v5, v1;
	_ =	sdelay $0x1  }
0xc4: {  	v1 =	vmul.f32 v1, v0;
	_ =	sdelay $0x1  }
0xc5: {  	[tilespmem:s17+$0x5160] =	vst v1  }
0xc6: {  	v4 =	vld [tilespmem:s16+$0xFFFFFF30]  }
0xc7: {  	v5 =	vld [tilespmem:s16+$0xFFFFFFB0]  }
.Ltmp0:
0xc8: {  	v3 =	vld [tilespmem:s16+$0x30];
	(pc) =	sbr.rel @p0 .LBB2_2-.Ltmp0, $3  }
0xc9: {  	v1 =	vld [tilespmem:s16+$0xB0]  }
0xca: {  	v2 =	vld [tilespmem:s16+$0x130];
	_ =	sdelay $0x1  }
0xcb: {  	v4 =	vadd.f32 v5, v4  }
0xcc: {  	_ = 	snop  }
0xcd: {  	v3 =	vadd.f32 v3, v4;
	_ =	sdelay $0x1  }
0xce: {  	v1 =	vadd.f32 v1, v3;
	_ =	sdelay $0x1  }
0xcf: {  	v1 =	vadd.f32 v2, v1;
	_ =	sdelay $0x1  }
0xd0: {  	s15 =	sadd.s32 $0x1, s15;
	v0 =	vmul.f32 v1, v0  }
0xd1: {  	p0 =	sne.s32 s15, s7  }
.Ltmp1:
0xd2: {  	[tilespmem:s17+$0x5170] =	vst v0;
	(pc) =	sbr.rel @p0 .LBB2_1-.Ltmp1, $4  }
0xd3: {  	[hbm4b:s6+s3] =	stream.linear.scatter [tilespmem:s14], [sflag:$0x2], $0x1000, $0x38;
	[tilespmem:$0x6180] =	vst v63  }
0xd4: {  	_ =	swait.ge [sflag:s8], $0x1000  }
0xd5: {  	[sflag:s8] =	ssyncset.done $0x0  }
0xd6: {  	[sflag:s8] =	ssyncadd.s32 $0xFFFFF000  }
0xd7: {  	_ =	sfence.sel $0x180000  }
0xd8: {  	[bflag:$0x0] =	sbarrier.arrive $0xFFFF  }
0xd9: {  	p0 =	sne.s32 s0, $0x0;
	_ =	strace $0x90000047  }
0xda: {  	s0 =	sadd.s32 @!p0 $0x100000, s2;
	[bflag:$0x2] =	sbarrier.arrive $0xFFFF  }
0xdb: {  	[sflag:s0] =	ssyncadd.tile.s32 @!p0 $0x1;
	_ =	shalt  }
.Lfunc_end2:
_tile_overlayer_lowered:
.L_overlay_start_2:
0xdc: {  	(tag) =	ssettag $0x2  }
0xdd: {  	s0 =	rddreg [dreg:$0x0];
	s2 =	stileid.u32  }
0xde: {  	s1 =	rddreg [dreg:$0x1];
	p0 =	sne.s32 s2, $0x0  }
0xdf: {  	s3 =	rddreg [dreg:$0x2];
	[bflag:$0x3] =	sbarrier.arrive $0xFFFF;
	s2 =	simm.s32 @!p0 $0x1C02  }
0xe0: {  	[timem:s3], [sflag:s2] =	dma.local @!p0 [hbm:s0], s1  }
0xe1: {  	s0 =	simm.s32 @!p0 $0x2  }
0xe2: {  	_ =	swait.ge @!p0 [sflag:s0], s1  }
0xe3: {  	s1 =	ssub.s32 @!p0 $0x0, s1;
	[sflag:s0] =	ssyncset.done @!p0 $0x0  }
0xe4: {  	[sflag:s0] =	ssyncadd.s32 @!p0 s1  }
0xe5: {  	[bflag:$0x3] =	sbarrier.arrive $0xFFFF  }
0xe6: {  	_ =	shalt  }

</sc_bundles>
